<compile_context>
chip_gen: v7x
topology: tpu7x:2x2x1
jax: 0.10.2.dev20260603
libtpu: 0.0.44.dev20260713+nightly
codegen_flags: <defaults>
</compile_context>

<pallas_src>
import functools

import jax
import jax.numpy as jnp
from jax import lax
from jax.experimental import pallas as pl
from jax.experimental.pallas import tpu as pltpu
from jax.experimental.pallas import tpu_sc as plsc

NC, NS, L = 2, 16, 16
NW = NC * NS
K = 128
NB = 3

_SC_PARAMS = pltpu.CompilerParams(use_tc_tiling_on_sc=False)


def _sc_mesh():
    return plsc.VectorSubcoreMesh(
        core_axis_name="c", subcore_axis_name="s", num_cores=NC, num_subcores=NS
    )


def _edge_scatter(hs_pad, src3, dst3, zacc, n_acc, feat, cpt):
    rows_pt = n_acc // NS
    plane = jax.ShapeDtypeStruct((n_acc, feat), jnp.float32)

    scratch = (
        [pltpu.VMEM((cpt, K), jnp.int32)] * 2
        + [pltpu.VMEM((K, feat), jnp.float32)] * NB
        + [pltpu.SemaphoreType.DMA] * (2 * NB + 1)
        + [pltpu.VMEM_SHARED((n_acc, feat), jnp.float32)] * 2
    )

    @functools.partial(
        pl.kernel,
        out_type=[plane, plane],
        mesh=_sc_mesh(),
        scratch_types=scratch,
        compiler_params=_SC_PARAMS,
    )
    def k(hs_hbm, src_hbm, dst_hbm, z_hbm, out0, out1, src_v, dst_v, *rest):
        rb = rest[:NB]
        gsem = rest[NB : 2 * NB]
        ssem = rest[2 * NB : 3 * NB]
        isem = rest[3 * NB]
        acc = rest[3 * NB + 1]
        hsc = rest[3 * NB + 2]
        cid = lax.axis_index("c")
        sid = lax.axis_index("s")
        wid = sid * NC + cid
        r0 = sid * rows_pt
        pltpu.async_copy(src_hbm.at[wid], src_v, isem)
        pltpu.async_copy(dst_hbm.at[wid], dst_v, isem)
        pltpu.sync_copy(hs_hbm.at[pl.ds(r0, rows_pt)], hsc.at[pl.ds(r0, rows_pt)])
        pltpu.sync_copy(z_hbm.at[pl.ds(r0, rows_pt)], acc.at[pl.ds(r0, rows_pt)])
        pltpu.make_async_copy(src_hbm.at[wid], src_v, isem).wait()
        pltpu.make_async_copy(dst_hbm.at[wid], dst_v, isem).wait()
        plsc.subcore_barrier()

        dummy = z_hbm.at[pl.ds(0, K)]
        tabs = [hsc] * NB
        pltpu.async_copy(tabs[0].at[src_v.at[0]], rb[0], gsem[0])

        def ring(q, c):
            for u in range(NB):
                j = q * NB + u
                o = (u + 1) % NB
                pltpu.make_async_copy(dummy, rb[u], gsem[u]).wait()
                pltpu.async_copy(rb[u], acc.at[dst_v.at[j]], ssem[u], add=True)

                @pl.when(j >= NB - 1)
                def _():
                    pltpu.make_async_copy(dummy, rb[o], ssem[o]).wait()

                @pl.when(j + 1 < cpt)
                def _():
                    pltpu.async_copy(tabs[o].at[src_v.at[j + 1]], rb[o], gsem[o])
            return c

        lax.fori_loop(0, cpt // NB, ring, 0)
        for d in range(1, NB):
            pltpu.make_async_copy(dummy, rb[(cpt - d) % NB], ssem[(cpt - d) % NB]).wait()
        plsc.subcore_barrier()

        @pl.when(cid == 0)
        def _():
            pltpu.sync_copy(acc.at[pl.ds(r0, rows_pt)], out0.at[pl.ds(r0, rows_pt)])

        @pl.when(cid == 1)
        def _():
            pltpu.sync_copy(acc.at[pl.ds(r0, rows_pt)], out1.at[pl.ds(r0, rows_pt)])

    return k(hs_pad, src3, dst3, zacc)


DEG_W = 16
DF = 16


def _deg_count(dst3, ones_rows, zdeg, n_acc, cpt):
    rows_pt = n_acc // NS
    plane = jax.ShapeDtypeStruct((n_acc, DF), jnp.float32)

    @functools.partial(
        pl.kernel,
        out_type=[plane, plane],
        mesh=_sc_mesh(),
        scratch_types=[
            pltpu.VMEM((cpt, K), jnp.int32),
            pltpu.VMEM((K, DF), jnp.float32),
            pltpu.SemaphoreType.DMA,
            pltpu.SemaphoreType.DMA,
            pltpu.VMEM_SHARED((n_acc, DF), jnp.float32),
        ],
        compiler_params=_SC_PARAMS,
    )
    def k(dst_hbm, ones_hbm, z_hbm, out0, out1, dst_v, ones_v, isem, ssem, acc):
        cid = lax.axis_index("c")
        sid = lax.axis_index("s")
        wid = sid * NC + cid
        r0 = sid * rows_pt
        pltpu.async_copy(dst_hbm.at[wid], dst_v, isem)
        pltpu.sync_copy(ones_hbm, ones_v)
        pltpu.sync_copy(z_hbm.at[pl.ds(r0, rows_pt)], acc.at[pl.ds(r0, rows_pt)])
        pltpu.make_async_copy(dst_hbm.at[wid], dst_v, isem).wait()
        plsc.subcore_barrier()

        dummy = z_hbm.at[pl.ds(0, K)]

        def fire(j, c):
            pltpu.async_copy(ones_v, acc.at[dst_v.at[j]], ssem, add=True)

            @pl.when(j >= DEG_W)
            def _():
                pltpu.make_async_copy(dummy, ones_v, ssem).wait()

            return c

        lax.fori_loop(0, cpt, fire, 0)

        def drain(j, c):
            pltpu.make_async_copy(dummy, ones_v, ssem).wait()
            return c

        lax.fori_loop(0, min(DEG_W, cpt), drain, 0)
        plsc.subcore_barrier()

        @pl.when(cid == 0)
        def _():
            pltpu.sync_copy(acc.at[pl.ds(r0, rows_pt)], out0.at[pl.ds(r0, rows_pt)])

        @pl.when(cid == 1)
        def _():
            pltpu.sync_copy(acc.at[pl.ds(r0, rows_pt)], out1.at[pl.ds(r0, rows_pt)])

    return k(dst3, ones_rows, zdeg)


def _tc_matmul(x, W, n_acc):
    n, h = x.shape[0], W.shape[1]
    tail = n_acc - n

    def body(xr, wr, outr):
        outr[pl.ds(0, n), :] = jnp.dot(
            xr[...], wr[...], preferred_element_type=jnp.float32
        )
        outr[pl.ds(n, tail), :] = jnp.zeros((tail, h), jnp.float32)

    return pl.pallas_call(
        body, out_shape=jax.ShapeDtypeStruct((n_acc, h), jnp.float32)
    )(x, W)


def _tc_first(d0, d1, mm):
    n_acc, h = mm.shape

    def body(d0r, d1r, mmr, hsr, disr):
        dis = lax.rsqrt(d0r[...][:, 0:1] + d1r[...][:, 0:1] + 1.0)
        hsr[...] = mmr[...] * dis
        disr[...] = dis

    return pl.pallas_call(
        body,
        out_shape=[
            jax.ShapeDtypeStruct((n_acc, h), jnp.float32),
            jax.ShapeDtypeStruct((n_acc, 1), jnp.float32),
        ],
    )(d0, d1, mm)


def _tc_mid(p0, p1, hs_prev, dis, b2d, W):
    n, h = hs_prev.shape[0], W.shape[1]

    def body(p0r, p1r, hpr, disr, br, wr, outr):
        dis = disr[...]
        hh = jnp.maximum(dis * (p0r[...] + p1r[...] + hpr[...]) + br[...], 0.0)
        outr[...] = jnp.dot(hh, wr[...], preferred_element_type=jnp.float32) * dis

    return pl.pallas_call(
        body, out_shape=jax.ShapeDtypeStruct((n, h), jnp.float32)
    )(p0, p1, hs_prev, dis, b2d, W)


def _tc_final(p0, p1, hs3, dis, b3, Wc1, bc1, Wc2, bc2, n_out):
    c = Wc2.shape[1]

    def body(p0r, p1r, hpr, disr, br, w1r, b1r, w2r, b2r, outr):
        hh = jnp.maximum(
            disr[...][0:n_out]
            * (p0r[...][0:n_out] + p1r[...][0:n_out] + hpr[...][0:n_out])
            + br[...],
            0.0,
        )
        m = jnp.maximum(
            jnp.dot(hh, w1r[...], preferred_element_type=jnp.float32) + b1r[...], 0.0
        )
        logits = jnp.dot(m, w2r[...], preferred_element_type=jnp.float32) + b2r[...]
        mx = jnp.max(logits, axis=1, keepdims=True)
        lse = mx + jnp.log(jnp.sum(jnp.exp(logits - mx), axis=1, keepdims=True))
        outr[...] = logits - lse

    return pl.pallas_call(
        body, out_shape=jax.ShapeDtypeStruct((n_out, c), jnp.float32)
    )(p0, p1, hs3, dis, b3, Wc1, bc1, Wc2, bc2)


def kernel(x, edge_index, W1, b1, W2, b2, W3, b3, Wc1, bc1, Wc2, bc2):
    N, _ = x.shape
    H = W1.shape[1]
    E = edge_index.shape[1]
    n_acc = -(-(N + 1) // (NS * 8)) * (NS * 8)

    src = edge_index[0]
    dst = edge_index[1]
    cpt = -(-E // (NW * K))
    cpt = -(-cpt // NB) * NB
    e_pad = cpt * NW * K
    pad = e_pad - E
    src_p = jnp.concatenate([src, jnp.zeros((pad,), jnp.int32)]).reshape(NW, cpt, K)
    dst_p = jnp.concatenate([dst, jnp.full((pad,), N, jnp.int32)]).reshape(NW, cpt, K)

    z_feat = jnp.zeros((n_acc, H), jnp.float32)
    z_deg = jnp.zeros((n_acc, DF), jnp.float32)
    ones_rows = jnp.ones((K, DF), jnp.float32)

    mm1 = _tc_matmul(x, W1, n_acc)
    d0, d1 = _deg_count(dst_p, ones_rows, z_deg, n_acc, cpt)
    hs1, dis = _tc_first(d0, d1, mm1)

    P0, P1 = _edge_scatter(hs1, src_p, dst_p, z_feat, n_acc, H, cpt)
    hs2 = _tc_mid(P0, P1, hs1, dis, b1.reshape(1, H), W2)

    P0, P1 = _edge_scatter(hs2, src_p, dst_p, z_feat, n_acc, H, cpt)
    hs3 = _tc_mid(P0, P1, hs2, dis, b2.reshape(1, H), W3)

    P0, P1 = _edge_scatter(hs3, src_p, dst_p, z_feat, n_acc, H, cpt)
    return _tc_final(
        P0, P1, hs3, dis, b3.reshape(1, H),
        Wc1, bc1.reshape(1, -1), Wc2, bc2.reshape(1, -1), N,
    )

# --- scband reference (transcript-rebuilt; emitter-appended) ---
"""Pipeline reference for scband-supply-chain-gnn-81853486727227 (READ-ONLY COPY).

The authoritative reference and input builder live on the scoring server;
editing this copy changes nothing except your own understanding.
"""

import jax, jax.numpy as jnp
import numpy as np


def setup_inputs(seed: int = 0) -> dict:
    key = jax.random.key(seed)
    ks = jax.random.split(key, 12)
    N, E, F_in, H, C = 10000, 320000, 128, 64, 2
    x = jax.random.normal(ks[0], (N, F_in), dtype=jnp.float32)
    edge_index = jax.random.randint(ks[1], (2, E), 0, N, dtype=jnp.int32)
    def lin(k, fan_in, fan_out):
        return jax.random.normal(k, (fan_in, fan_out), dtype=jnp.float32) / np.sqrt(fan_in)
    W1 = lin(ks[2], F_in, H); b1 = jnp.zeros((H,), jnp.float32)
    W2 = lin(ks[3], H, H); b2 = jnp.zeros((H,), jnp.float32)
    W3 = lin(ks[4], H, H); b3 = jnp.zeros((H,), jnp.float32)
    Wc1 = lin(ks[5], H, H // 2); bc1 = jnp.zeros((H // 2,), jnp.float32)
    Wc2 = lin(ks[6], H // 2, C); bc2 = jnp.zeros((C,), jnp.float32)
    return {"x": x, "edge_index": edge_index, "W1": W1, "b1": b1, "W2": W2, "b2": b2, "W3": W3, "b3": b3, "Wc1": Wc1, "bc1": bc1, "Wc2": Wc2, "bc2": bc2}


def reference(x, edge_index, W1, b1, W2, b2, W3, b3, Wc1, bc1, Wc2, bc2):
    # GCNConv (PyG semantics): add self-loops, symmetric deg^{-1/2} normalization,
    # linear transform, scatter-add aggregation over dst, plus bias.
    N = x.shape[0]
    loop = jnp.arange(N, dtype=edge_index.dtype)
    src = jnp.concatenate([edge_index[0], loop])
    dst = jnp.concatenate([edge_index[1], loop])
    deg = jax.ops.segment_sum(jnp.ones(src.shape[0], jnp.float32), dst, num_segments=N)
    dis = jnp.where(deg > 0, 1.0 / jnp.sqrt(deg), 0.0)
    norm = (dis[src] * dis[dst])[:, None]

    def gcn_conv(h, W, b):
        hl = h @ W
        agg = jax.ops.segment_sum(hl[src] * norm, dst, num_segments=N)
        return agg + b

    # conv1 + relu (dropout is identity in eval mode)
    h = jax.nn.relu(gcn_conv(x, W1, b1))
    # middle convs (num_layers=3 -> one middle layer)
    h = jax.nn.relu(gcn_conv(h, W2, b2))
    # final conv + relu
    h = jax.nn.relu(gcn_conv(h, W3, b3))
    # classifier MLP
    h = jax.nn.relu(h @ Wc1 + bc1)
    logits = h @ Wc2 + bc2
    return jax.nn.log_softmax(logits, axis=1)

if __name__ == "__main__":
    import jax
    _d = setup_inputs()
    print(jax.jit(kernel)(*tuple(_d.values())))

</pallas_src>

<mosaic_0001>
#map = affine_map<(d0, d1) -> (0, 0)>
#map1 = affine_map<(d0, d1) -> (0, 0, 0)>
module attributes {stable_mosaic.version = 14 : i64} {
  func.func @k(%arg0: i32, %arg1: i32, %arg2: memref<10112x64xf32, #tpu.memory_space<hbm>>, %arg3: memref<32x81x128xi32, #tpu.memory_space<hbm>>, %arg4: memref<32x81x128xi32, #tpu.memory_space<hbm>>, %arg5: memref<10112x64xf32, #tpu.memory_space<hbm>>, %arg6: memref<10112x64xf32, #tpu.memory_space<hbm>>, %arg7: memref<10112x64xf32, #tpu.memory_space<hbm>>, %arg8: memref<81x128xi32, #tpu.memory_space<vmem>>, %arg9: memref<81x128xi32, #tpu.memory_space<vmem>>, %arg10: memref<128x64xf32, #tpu.memory_space<vmem>>, %arg11: memref<128x64xf32, #tpu.memory_space<vmem>>, %arg12: memref<128x64xf32, #tpu.memory_space<vmem>>, %arg13: memref<!tpu.dma_semaphore, #tpu.memory_space<semaphore_mem>>, %arg14: memref<!tpu.dma_semaphore, #tpu.memory_space<semaphore_mem>>, %arg15: memref<!tpu.dma_semaphore, #tpu.memory_space<semaphore_mem>>, %arg16: memref<!tpu.dma_semaphore, #tpu.memory_space<semaphore_mem>>, %arg17: memref<!tpu.dma_semaphore, #tpu.memory_space<semaphore_mem>>, %arg18: memref<!tpu.dma_semaphore, #tpu.memory_space<semaphore_mem>>, %arg19: memref<!tpu.dma_semaphore, #tpu.memory_space<semaphore_mem>>, %arg20: memref<10112x64xf32, #tpu.memory_space<vmem_shared>>, %arg21: memref<10112x64xf32, #tpu.memory_space<vmem_shared>>) attributes {dimension_semantics = [#tpu.dimension_semantics<core_parallel>, #tpu.dimension_semantics<subcore_parallel>], iteration_bounds = array<i64: 2, 16>, scalar_prefetch = 0 : i64, scratch_operands = 14 : i64, tpu.core_type = #tpu.core_type<sc_vector_subcore>, window_params = [{transform_indices = #map}, {transform_indices = #map1}, {transform_indices = #map1}, {transform_indices = #map}, {transform_indices = #map}, {transform_indices = #map}]} {
    %mul3A = arith.constant 2 : i32
    %mul3A_0 = arith.muli %arg1, %mul3A : i32
    %add3A = arith.addi %mul3A_0, %arg0 : i32
    %mul3A_1 = arith.constant 632 : i32
    %mul3A_2 = arith.muli %arg1, %mul3A_1 : i32
    %dma_start3A = arith.constant 0 : i32
    %dma_start3A_3 = arith.constant 0 : i32
    %dma_start3A_4 = tpu.memref_slice %arg3[%add3A, %dma_start3A, %dma_start3A_3] : memref<32x81x128xi32, #tpu.memory_space<hbm>> -> memref<1x81x128xi32, #tpu.memory_space<hbm>>
    %dma_start3A_5 = tpu.memref_squeeze %dma_start3A_4 : memref<1x81x128xi32, #tpu.memory_space<hbm>> -> memref<81x128xi32, #tpu.memory_space<hbm>>
    %dma_start3A_6 = arith.constant 0 : i32
    %dma_start3A_7 = arith.constant 0 : i32
    %dma_start3A_8 = tpu.memref_slice %arg3[%add3A, %dma_start3A_6, %dma_start3A_7] : memref<32x81x128xi32, #tpu.memory_space<hbm>> -> memref<1x81x128xi32, #tpu.memory_space<hbm>>
    %dma_start3A_9 = tpu.memref_squeeze %dma_start3A_8 : memref<1x81x128xi32, #tpu.memory_space<hbm>> -> memref<81x128xi32, #tpu.memory_space<hbm>>
    tpu.enqueue_dma source(%dma_start3A_9 : memref<81x128xi32, #tpu.memory_space<hbm>>) target(%arg8 : memref<81x128xi32, #tpu.memory_space<vmem>>) target_semaphore(%arg19 : memref<!tpu.dma_semaphore, #tpu.memory_space<semaphore_mem>>)
    %dma_start3A_10 = arith.constant 0 : i32
    %dma_start3A_11 = arith.constant 0 : i32
    %dma_start3A_12 = tpu.memref_slice %arg4[%add3A, %dma_start3A_10, %dma_start3A_11] : memref<32x81x128xi32, #tpu.memory_space<hbm>> -> memref<1x81x128xi32, #tpu.memory_space<hbm>>
    %dma_start3A_13 = tpu.memref_squeeze %dma_start3A_12 : memref<1x81x128xi32, #tpu.memory_space<hbm>> -> memref<81x128xi32, #tpu.memory_space<hbm>>
    %dma_start3A_14 = arith.constant 0 : i32
    %dma_start3A_15 = arith.constant 0 : i32
    %dma_start3A_16 = tpu.memref_slice %arg4[%add3A, %dma_start3A_14, %dma_start3A_15] : memref<32x81x128xi32, #tpu.memory_space<hbm>> -> memref<1x81x128xi32, #tpu.memory_space<hbm>>
    %dma_start3A_17 = tpu.memref_squeeze %dma_start3A_16 : memref<1x81x128xi32, #tpu.memory_space<hbm>> -> memref<81x128xi32, #tpu.memory_space<hbm>>
    tpu.enqueue_dma source(%dma_start3A_17 : memref<81x128xi32, #tpu.memory_space<hbm>>) target(%arg9 : memref<81x128xi32, #tpu.memory_space<vmem>>) target_semaphore(%arg19 : memref<!tpu.dma_semaphore, #tpu.memory_space<semaphore_mem>>)
    "tpu.region"() ({
      %run_scoped3A = tpu.sem_alloc : memref<!tpu.dma_semaphore, #tpu.memory_space<semaphore_mem>>
      %dma_start3A_65 = arith.constant 0 : i32
      %dma_start3A_66 = tpu.memref_slice %arg21[%mul3A_2, %dma_start3A_65] : memref<10112x64xf32, #tpu.memory_space<vmem_shared>> -> memref<632x64xf32, #tpu.memory_space<vmem_shared>>
      %dma_start3A_67 = arith.constant 0 : i32
      %dma_start3A_68 = tpu.memref_slice %arg2[%mul3A_2, %dma_start3A_67] : memref<10112x64xf32, #tpu.memory_space<hbm>> -> memref<632x64xf32, #tpu.memory_space<hbm>>
      tpu.enqueue_dma source(%dma_start3A_68 : memref<632x64xf32, #tpu.memory_space<hbm>>) target(%dma_start3A_66 : memref<632x64xf32, #tpu.memory_space<vmem_shared>>) target_semaphore(%run_scoped3A : memref<!tpu.dma_semaphore, #tpu.memory_space<semaphore_mem>>)
      %dma_wait3A_69 = arith.constant 0 : i32
      %dma_wait3A_70 = tpu.memref_slice %arg21[%mul3A_2, %dma_wait3A_69] : memref<10112x64xf32, #tpu.memory_space<vmem_shared>> -> memref<632x64xf32, #tpu.memory_space<vmem_shared>>
      %dma_wait3A_71 = arith.constant 0 : i32
      %dma_wait3A_72 = tpu.memref_slice %arg2[%mul3A_2, %dma_wait3A_71] : memref<10112x64xf32, #tpu.memory_space<hbm>> -> memref<632x64xf32, #tpu.memory_space<hbm>>
      tpu.wait_dma2 semaphore(%run_scoped3A : memref<!tpu.dma_semaphore, #tpu.memory_space<semaphore_mem>>) src(%dma_wait3A_72 : memref<632x64xf32, #tpu.memory_space<hbm>>) dst(%dma_wait3A_70 : memref<632x64xf32, #tpu.memory_space<vmem_shared>>)
      tpu.yield
    }) : () -> ()
    "tpu.region"() ({
      %run_scoped3A = tpu.sem_alloc : memref<!tpu.dma_semaphore, #tpu.memory_space<semaphore_mem>>
      %dma_start3A_65 = arith.constant 0 : i32
      %dma_start3A_66 = tpu.memref_slice %arg20[%mul3A_2, %dma_start3A_65] : memref<10112x64xf32, #tpu.memory_space<vmem_shared>> -> memref<632x64xf32, #tpu.memory_space<vmem_shared>>
      %dma_start3A_67 = arith.constant 0 : i32
      %dma_start3A_68 = tpu.memref_slice %arg5[%mul3A_2, %dma_start3A_67] : memref<10112x64xf32, #tpu.memory_space<hbm>> -> memref<632x64xf32, #tpu.memory_space<hbm>>
      tpu.enqueue_dma source(%dma_start3A_68 : memref<632x64xf32, #tpu.memory_space<hbm>>) target(%dma_start3A_66 : memref<632x64xf32, #tpu.memory_space<vmem_shared>>) target_semaphore(%run_scoped3A : memref<!tpu.dma_semaphore, #tpu.memory_space<semaphore_mem>>)
      %dma_wait3A_69 = arith.constant 0 : i32
      %dma_wait3A_70 = tpu.memref_slice %arg20[%mul3A_2, %dma_wait3A_69] : memref<10112x64xf32, #tpu.memory_space<vmem_shared>> -> memref<632x64xf32, #tpu.memory_space<vmem_shared>>
      %dma_wait3A_71 = arith.constant 0 : i32
      %dma_wait3A_72 = tpu.memref_slice %arg5[%mul3A_2, %dma_wait3A_71] : memref<10112x64xf32, #tpu.memory_space<hbm>> -> memref<632x64xf32, #tpu.memory_space<hbm>>
      tpu.wait_dma2 semaphore(%run_scoped3A : memref<!tpu.dma_semaphore, #tpu.memory_space<semaphore_mem>>) src(%dma_wait3A_72 : memref<632x64xf32, #tpu.memory_space<hbm>>) dst(%dma_wait3A_70 : memref<632x64xf32, #tpu.memory_space<vmem_shared>>)
      tpu.yield
    }) : () -> ()
    %dma_wait3A = arith.constant 0 : i32
    %dma_wait3A_18 = arith.constant 0 : i32
    %dma_wait3A_19 = tpu.memref_slice %arg3[%add3A, %dma_wait3A, %dma_wait3A_18] : memref<32x81x128xi32, #tpu.memory_space<hbm>> -> memref<1x81x128xi32, #tpu.memory_space<hbm>>
    %dma_wait3A_20 = tpu.memref_squeeze %dma_wait3A_19 : memref<1x81x128xi32, #tpu.memory_space<hbm>> -> memref<81x128xi32, #tpu.memory_space<hbm>>
    %dma_wait3A_21 = arith.constant 0 : i32
    %dma_wait3A_22 = arith.constant 0 : i32
    %dma_wait3A_23 = tpu.memref_slice %arg3[%add3A, %dma_wait3A_21, %dma_wait3A_22] : memref<32x81x128xi32, #tpu.memory_space<hbm>> -> memref<1x81x128xi32, #tpu.memory_space<hbm>>
    %dma_wait3A_24 = tpu.memref_squeeze %dma_wait3A_23 : memref<1x81x128xi32, #tpu.memory_space<hbm>> -> memref<81x128xi32, #tpu.memory_space<hbm>>
    tpu.wait_dma2 semaphore(%arg19 : memref<!tpu.dma_semaphore, #tpu.memory_space<semaphore_mem>>) src(%dma_wait3A_24 : memref<81x128xi32, #tpu.memory_space<hbm>>) dst(%arg8 : memref<81x128xi32, #tpu.memory_space<vmem>>)
    %dma_wait3A_25 = arith.constant 0 : i32
    %dma_wait3A_26 = arith.constant 0 : i32
    %dma_wait3A_27 = tpu.memref_slice %arg4[%add3A, %dma_wait3A_25, %dma_wait3A_26] : memref<32x81x128xi32, #tpu.memory_space<hbm>> -> memref<1x81x128xi32, #tpu.memory_space<hbm>>
    %dma_wait3A_28 = tpu.memref_squeeze %dma_wait3A_27 : memref<1x81x128xi32, #tpu.memory_space<hbm>> -> memref<81x128xi32, #tpu.memory_space<hbm>>
    %dma_wait3A_29 = arith.constant 0 : i32
    %dma_wait3A_30 = arith.constant 0 : i32
    %dma_wait3A_31 = tpu.memref_slice %arg4[%add3A, %dma_wait3A_29, %dma_wait3A_30] : memref<32x81x128xi32, #tpu.memory_space<hbm>> -> memref<1x81x128xi32, #tpu.memory_space<hbm>>
    %dma_wait3A_32 = tpu.memref_squeeze %dma_wait3A_31 : memref<1x81x128xi32, #tpu.memory_space<hbm>> -> memref<81x128xi32, #tpu.memory_space<hbm>>
    tpu.wait_dma2 semaphore(%arg19 : memref<!tpu.dma_semaphore, #tpu.memory_space<semaphore_mem>>) src(%dma_wait3A_32 : memref<81x128xi32, #tpu.memory_space<hbm>>) dst(%arg9 : memref<81x128xi32, #tpu.memory_space<vmem>>)
    %barrier3A = arith.constant 0 : index
    tpu.barrier barrier_id(%barrier3A)
    %dma_start3A_33 = arith.constant 0 : i32
    %dma_start3A_34 = arith.constant 0 : i32
    %dma_start3A_35 = tpu.memref_slice %arg8[%dma_start3A_33, %dma_start3A_34] : memref<81x128xi32, #tpu.memory_space<vmem>> -> memref<1x128xi32, #tpu.memory_space<vmem>>
    %dma_start3A_36 = tpu.memref_squeeze %dma_start3A_35 : memref<1x128xi32, #tpu.memory_space<vmem>> -> memref<128xi32, #tpu.memory_space<vmem>>
    %dma_start3A_37 = arith.constant 0 : i32
    %dma_start3A_38 = arith.constant 0 : i32
    %dma_start3A_39 = tpu.memref_slice %arg21[%dma_start3A_37, %dma_start3A_38] : memref<10112x64xf32, #tpu.memory_space<vmem_shared>> -> memref<10112x64xf32, #tpu.memory_space<vmem_shared>>
    tpu.enqueue_indirect_dma source(%dma_start3A_39 : memref<10112x64xf32, #tpu.memory_space<vmem_shared>>) target(%arg10 : memref<128x64xf32, #tpu.memory_space<vmem>>) offsets(%dma_start3A_36 : memref<128xi32, #tpu.memory_space<vmem>>) semaphore(%arg13 : memref<!tpu.dma_semaphore, #tpu.memory_space<semaphore_mem>>)
    %scan3A = arith.constant 0 : i32
    %scan3A_40 = arith.constant 0 : i32
    %scan3A_41 = arith.constant 27 : i32
    %scan3A_42 = arith.addi %scan3A_40, %scan3A_41 : i32
    %scan3A_43 = arith.constant 1 : i32
    scf.for %scan3A_65 = %scan3A_40 to %scan3A_42 step %scan3A_43  : i32 {
      %mul3A_66 = arith.constant 3 : i32
      %mul3A_67 = arith.muli %scan3A_65, %mul3A_66 : i32
      %add3A_68 = arith.constant 0 : i32
      %add3A_69 = arith.addi %mul3A_67, %add3A_68 : i32
      %dma_wait3A_70 = arith.constant 0 : i32
      %dma_wait3A_71 = arith.constant 0 : i32
      %dma_wait3A_72 = tpu.memref_slice %arg5[%dma_wait3A_70, %dma_wait3A_71] : memref<10112x64xf32, #tpu.memory_space<hbm>> -> memref<128x64xf32, #tpu.memory_space<hbm>>
      %dma_wait3A_73 = arith.constant 0 : i32
      %dma_wait3A_74 = arith.constant 0 : i32
      %dma_wait3A_75 = tpu.memref_slice %arg5[%dma_wait3A_73, %dma_wait3A_74] : memref<10112x64xf32, #tpu.memory_space<hbm>> -> memref<128x64xf32, #tpu.memory_space<hbm>>
      tpu.wait_dma2 semaphore(%arg13 : memref<!tpu.dma_semaphore, #tpu.memory_space<semaphore_mem>>) src(%dma_wait3A_75 : memref<128x64xf32, #tpu.memory_space<hbm>>) dst(%arg10 : memref<128x64xf32, #tpu.memory_space<vmem>>)
      %dma_start3A_76 = arith.constant 0 : i32
      %dma_start3A_77 = tpu.memref_slice %arg9[%add3A_69, %dma_start3A_76] : memref<81x128xi32, #tpu.memory_space<vmem>> -> memref<1x128xi32, #tpu.memory_space<vmem>>
      %dma_start3A_78 = tpu.memref_squeeze %dma_start3A_77 : memref<1x128xi32, #tpu.memory_space<vmem>> -> memref<128xi32, #tpu.memory_space<vmem>>
      %dma_start3A_79 = arith.constant 0 : i32
      %dma_start3A_80 = arith.constant 0 : i32
      %dma_start3A_81 = tpu.memref_slice %arg20[%dma_start3A_79, %dma_start3A_80] : memref<10112x64xf32, #tpu.memory_space<vmem_shared>> -> memref<10112x64xf32, #tpu.memory_space<vmem_shared>>
      tpu.enqueue_indirect_dma source(%arg10 : memref<128x64xf32, #tpu.memory_space<vmem>>) target(%dma_start3A_81 : memref<10112x64xf32, #tpu.memory_space<vmem_shared>>) offsets(%dma_start3A_78 : memref<128xi32, #tpu.memory_space<vmem>>) semaphore(%arg16 : memref<!tpu.dma_semaphore, #tpu.memory_space<semaphore_mem>>) {add = true}
      %ge3A = arith.constant 2 : i32
      %ge3A_82 = arith.cmpi sge, %add3A_69, %ge3A : i32
      %convert_element_type3A_83 = arith.extui %ge3A_82 : i1 to i32
      %cond3A_84 = arith.constant 0 : i32
      %cond3A_85 = arith.cmpi ne, %convert_element_type3A_83, %cond3A_84 : i32
      scf.if %cond3A_85 {
        %dma_wait3A_148 = arith.constant 0 : i32
        %dma_wait3A_149 = arith.constant 0 : i32
        %dma_wait3A_150 = tpu.memref_slice %arg5[%dma_wait3A_148, %dma_wait3A_149] : memref<10112x64xf32, #tpu.memory_space<hbm>> -> memref<128x64xf32, #tpu.memory_space<hbm>>
        %dma_wait3A_151 = arith.constant 0 : i32
        %dma_wait3A_152 = arith.constant 0 : i32
        %dma_wait3A_153 = tpu.memref_slice %arg5[%dma_wait3A_151, %dma_wait3A_152] : memref<10112x64xf32, #tpu.memory_space<hbm>> -> memref<128x64xf32, #tpu.memory_space<hbm>>
        tpu.wait_dma2 semaphore(%arg17 : memref<!tpu.dma_semaphore, #tpu.memory_space<semaphore_mem>>) src(%dma_wait3A_153 : memref<128x64xf32, #tpu.memory_space<hbm>>) dst(%arg11 : memref<128x64xf32, #tpu.memory_space<vmem>>)
      } else {
      }
      %add3A_86 = arith.constant 1 : i32
      %add3A_87 = arith.addi %add3A_69, %add3A_86 : i32
      %lt3A = arith.constant 81 : i32
      %lt3A_88 = arith.cmpi slt, %add3A_87, %lt3A : i32
      %convert_element_type3A_89 = arith.extui %lt3A_88 : i1 to i32
      %cond3A_90 = arith.constant 0 : i32
      %cond3A_91 = arith.cmpi ne, %convert_element_type3A_89, %cond3A_90 : i32
      scf.if %cond3A_91 {
        %add3A_148 = arith.constant 1 : i32
        %add3A_149 = arith.addi %add3A_69, %add3A_148 : i32
        %dma_start3A_150 = arith.constant 0 : i32
        %dma_start3A_151 = tpu.memref_slice %arg8[%add3A_149, %dma_start3A_150] : memref<81x128xi32, #tpu.memory_space<vmem>> -> memref<1x128xi32, #tpu.memory_space<vmem>>
        %dma_start3A_152 = tpu.memref_squeeze %dma_start3A_151 : memref<1x128xi32, #tpu.memory_space<vmem>> -> memref<128xi32, #tpu.memory_space<vmem>>
        %dma_start3A_153 = arith.constant 0 : i32
        %dma_start3A_154 = arith.constant 0 : i32
        %dma_start3A_155 = tpu.memref_slice %arg21[%dma_start3A_153, %dma_start3A_154] : memref<10112x64xf32, #tpu.memory_space<vmem_shared>> -> memref<10112x64xf32, #tpu.memory_space<vmem_shared>>
        tpu.enqueue_indirect_dma source(%dma_start3A_155 : memref<10112x64xf32, #tpu.memory_space<vmem_shared>>) target(%arg11 : memref<128x64xf32, #tpu.memory_space<vmem>>) offsets(%dma_start3A_152 : memref<128xi32, #tpu.memory_space<vmem>>) semaphore(%arg14 : memref<!tpu.dma_semaphore, #tpu.memory_space<semaphore_mem>>)
      } else {
      }
      %mul3A_92 = arith.constant 3 : i32
      %mul3A_93 = arith.muli %scan3A_65, %mul3A_92 : i32
      %add3A_94 = arith.constant 1 : i32
      %add3A_95 = arith.addi %mul3A_93, %add3A_94 : i32
      %dma_wait3A_96 = arith.constant 0 : i32
      %dma_wait3A_97 = arith.constant 0 : i32
      %dma_wait3A_98 = tpu.memref_slice %arg5[%dma_wait3A_96, %dma_wait3A_97] : memref<10112x64xf32, #tpu.memory_space<hbm>> -> memref<128x64xf32, #tpu.memory_space<hbm>>
      %dma_wait3A_99 = arith.constant 0 : i32
      %dma_wait3A_100 = arith.constant 0 : i32
      %dma_wait3A_101 = tpu.memref_slice %arg5[%dma_wait3A_99, %dma_wait3A_100] : memref<10112x64xf32, #tpu.memory_space<hbm>> -> memref<128x64xf32, #tpu.memory_space<hbm>>
      tpu.wait_dma2 semaphore(%arg14 : memref<!tpu.dma_semaphore, #tpu.memory_space<semaphore_mem>>) src(%dma_wait3A_101 : memref<128x64xf32, #tpu.memory_space<hbm>>) dst(%arg11 : memref<128x64xf32, #tpu.memory_space<vmem>>)
      %dma_start3A_102 = arith.constant 0 : i32
      %dma_start3A_103 = tpu.memref_slice %arg9[%add3A_95, %dma_start3A_102] : memref<81x128xi32, #tpu.memory_space<vmem>> -> memref<1x128xi32, #tpu.memory_space<vmem>>
      %dma_start3A_104 = tpu.memref_squeeze %dma_start3A_103 : memref<1x128xi32, #tpu.memory_space<vmem>> -> memref<128xi32, #tpu.memory_space<vmem>>
      %dma_start3A_105 = arith.constant 0 : i32
      %dma_start3A_106 = arith.constant 0 : i32
      %dma_start3A_107 = tpu.memref_slice %arg20[%dma_start3A_105, %dma_start3A_106] : memref<10112x64xf32, #tpu.memory_space<vmem_shared>> -> memref<10112x64xf32, #tpu.memory_space<vmem_shared>>
      tpu.enqueue_indirect_dma source(%arg11 : memref<128x64xf32, #tpu.memory_space<vmem>>) target(%dma_start3A_107 : memref<10112x64xf32, #tpu.memory_space<vmem_shared>>) offsets(%dma_start3A_104 : memref<128xi32, #tpu.memory_space<vmem>>) semaphore(%arg17 : memref<!tpu.dma_semaphore, #tpu.memory_space<semaphore_mem>>) {add = true}
      %ge3A_108 = arith.constant 2 : i32
      %ge3A_109 = arith.cmpi sge, %add3A_95, %ge3A_108 : i32
      %convert_element_type3A_110 = arith.extui %ge3A_109 : i1 to i32
      %cond3A_111 = arith.constant 0 : i32
      %cond3A_112 = arith.cmpi ne, %convert_element_type3A_110, %cond3A_111 : i32
      scf.if %cond3A_112 {
        %dma_wait3A_148 = arith.constant 0 : i32
        %dma_wait3A_149 = arith.constant 0 : i32
        %dma_wait3A_150 = tpu.memref_slice %arg5[%dma_wait3A_148, %dma_wait3A_149] : memref<10112x64xf32, #tpu.memory_space<hbm>> -> memref<128x64xf32, #tpu.memory_space<hbm>>
        %dma_wait3A_151 = arith.constant 0 : i32
        %dma_wait3A_152 = arith.constant 0 : i32
        %dma_wait3A_153 = tpu.memref_slice %arg5[%dma_wait3A_151, %dma_wait3A_152] : memref<10112x64xf32, #tpu.memory_space<hbm>> -> memref<128x64xf32, #tpu.memory_space<hbm>>
        tpu.wait_dma2 semaphore(%arg18 : memref<!tpu.dma_semaphore, #tpu.memory_space<semaphore_mem>>) src(%dma_wait3A_153 : memref<128x64xf32, #tpu.memory_space<hbm>>) dst(%arg12 : memref<128x64xf32, #tpu.memory_space<vmem>>)
      } else {
      }
      %add3A_113 = arith.constant 1 : i32
      %add3A_114 = arith.addi %add3A_95, %add3A_113 : i32
      %lt3A_115 = arith.constant 81 : i32
      %lt3A_116 = arith.cmpi slt, %add3A_114, %lt3A_115 : i32
      %convert_element_type3A_117 = arith.extui %lt3A_116 : i1 to i32
      %cond3A_118 = arith.constant 0 : i32
      %cond3A_119 = arith.cmpi ne, %convert_element_type3A_117, %cond3A_118 : i32
      scf.if %cond3A_119 {
        %add3A_148 = arith.constant 1 : i32
        %add3A_149 = arith.addi %add3A_95, %add3A_148 : i32
        %dma_start3A_150 = arith.constant 0 : i32
        %dma_start3A_151 = tpu.memref_slice %arg8[%add3A_149, %dma_start3A_150] : memref<81x128xi32, #tpu.memory_space<vmem>> -> memref<1x128xi32, #tpu.memory_space<vmem>>
        %dma_start3A_152 = tpu.memref_squeeze %dma_start3A_151 : memref<1x128xi32, #tpu.memory_space<vmem>> -> memref<128xi32, #tpu.memory_space<vmem>>
        %dma_start3A_153 = arith.constant 0 : i32
        %dma_start3A_154 = arith.constant 0 : i32
        %dma_start3A_155 = tpu.memref_slice %arg21[%dma_start3A_153, %dma_start3A_154] : memref<10112x64xf32, #tpu.memory_space<vmem_shared>> -> memref<10112x64xf32, #tpu.memory_space<vmem_shared>>
        tpu.enqueue_indirect_dma source(%dma_start3A_155 : memref<10112x64xf32, #tpu.memory_space<vmem_shared>>) target(%arg12 : memref<128x64xf32, #tpu.memory_space<vmem>>) offsets(%dma_start3A_152 : memref<128xi32, #tpu.memory_space<vmem>>) semaphore(%arg15 : memref<!tpu.dma_semaphore, #tpu.memory_space<semaphore_mem>>)
      } else {
      }
      %mul3A_120 = arith.constant 3 : i32
      %mul3A_121 = arith.muli %scan3A_65, %mul3A_120 : i32
      %add3A_122 = arith.constant 2 : i32
      %add3A_123 = arith.addi %mul3A_121, %add3A_122 : i32
      %dma_wait3A_124 = arith.constant 0 : i32
      %dma_wait3A_125 = arith.constant 0 : i32
      %dma_wait3A_126 = tpu.memref_slice %arg5[%dma_wait3A_124, %dma_wait3A_125] : memref<10112x64xf32, #tpu.memory_space<hbm>> -> memref<128x64xf32, #tpu.memory_space<hbm>>
      %dma_wait3A_127 = arith.constant 0 : i32
      %dma_wait3A_128 = arith.constant 0 : i32
      %dma_wait3A_129 = tpu.memref_slice %arg5[%dma_wait3A_127, %dma_wait3A_128] : memref<10112x64xf32, #tpu.memory_space<hbm>> -> memref<128x64xf32, #tpu.memory_space<hbm>>
      tpu.wait_dma2 semaphore(%arg15 : memref<!tpu.dma_semaphore, #tpu.memory_space<semaphore_mem>>) src(%dma_wait3A_129 : memref<128x64xf32, #tpu.memory_space<hbm>>) dst(%arg12 : memref<128x64xf32, #tpu.memory_space<vmem>>)
      %dma_start3A_130 = arith.constant 0 : i32
      %dma_start3A_131 = tpu.memref_slice %arg9[%add3A_123, %dma_start3A_130] : memref<81x128xi32, #tpu.memory_space<vmem>> -> memref<1x128xi32, #tpu.memory_space<vmem>>
      %dma_start3A_132 = tpu.memref_squeeze %dma_start3A_131 : memref<1x128xi32, #tpu.memory_space<vmem>> -> memref<128xi32, #tpu.memory_space<vmem>>
      %dma_start3A_133 = arith.constant 0 : i32
      %dma_start3A_134 = arith.constant 0 : i32
      %dma_start3A_135 = tpu.memref_slice %arg20[%dma_start3A_133, %dma_start3A_134] : memref<10112x64xf32, #tpu.memory_space<vmem_shared>> -> memref<10112x64xf32, #tpu.memory_space<vmem_shared>>
      tpu.enqueue_indirect_dma source(%arg12 : memref<128x64xf32, #tpu.memory_space<vmem>>) target(%dma_start3A_135 : memref<10112x64xf32, #tpu.memory_space<vmem_shared>>) offsets(%dma_start3A_132 : memref<128xi32, #tpu.memory_space<vmem>>) semaphore(%arg18 : memref<!tpu.dma_semaphore, #tpu.memory_space<semaphore_mem>>) {add = true}
      %ge3A_136 = arith.constant 2 : i32
      %ge3A_137 = arith.cmpi sge, %add3A_123, %ge3A_136 : i32
      %convert_element_type3A_138 = arith.extui %ge3A_137 : i1 to i32
      %cond3A_139 = arith.constant 0 : i32
      %cond3A_140 = arith.cmpi ne, %convert_element_type3A_138, %cond3A_139 : i32
      scf.if %cond3A_140 {
        %dma_wait3A_148 = arith.constant 0 : i32
        %dma_wait3A_149 = arith.constant 0 : i32
        %dma_wait3A_150 = tpu.memref_slice %arg5[%dma_wait3A_148, %dma_wait3A_149] : memref<10112x64xf32, #tpu.memory_space<hbm>> -> memref<128x64xf32, #tpu.memory_space<hbm>>
        %dma_wait3A_151 = arith.constant 0 : i32
        %dma_wait3A_152 = arith.constant 0 : i32
        %dma_wait3A_153 = tpu.memref_slice %arg5[%dma_wait3A_151, %dma_wait3A_152] : memref<10112x64xf32, #tpu.memory_space<hbm>> -> memref<128x64xf32, #tpu.memory_space<hbm>>
        tpu.wait_dma2 semaphore(%arg16 : memref<!tpu.dma_semaphore, #tpu.memory_space<semaphore_mem>>) src(%dma_wait3A_153 : memref<128x64xf32, #tpu.memory_space<hbm>>) dst(%arg10 : memref<128x64xf32, #tpu.memory_space<vmem>>)
      } else {
      }
      %add3A_141 = arith.constant 1 : i32
      %add3A_142 = arith.addi %add3A_123, %add3A_141 : i32
      %lt3A_143 = arith.constant 81 : i32
      %lt3A_144 = arith.cmpi slt, %add3A_142, %lt3A_143 : i32
      %convert_element_type3A_145 = arith.extui %lt3A_144 : i1 to i32
      %cond3A_146 = arith.constant 0 : i32
      %cond3A_147 = arith.cmpi ne, %convert_element_type3A_145, %cond3A_146 : i32
      scf.if %cond3A_147 {
        %add3A_148 = arith.constant 1 : i32
        %add3A_149 = arith.addi %add3A_123, %add3A_148 : i32
        %dma_start3A_150 = arith.constant 0 : i32
        %dma_start3A_151 = tpu.memref_slice %arg8[%add3A_149, %dma_start3A_150] : memref<81x128xi32, #tpu.memory_space<vmem>> -> memref<1x128xi32, #tpu.memory_space<vmem>>
        %dma_start3A_152 = tpu.memref_squeeze %dma_start3A_151 : memref<1x128xi32, #tpu.memory_space<vmem>> -> memref<128xi32, #tpu.memory_space<vmem>>
        %dma_start3A_153 = arith.constant 0 : i32
        %dma_start3A_154 = arith.constant 0 : i32
        %dma_start3A_155 = tpu.memref_slice %arg21[%dma_start3A_153, %dma_start3A_154] : memref<10112x64xf32, #tpu.memory_space<vmem_shared>> -> memref<10112x64xf32, #tpu.memory_space<vmem_shared>>
        tpu.enqueue_indirect_dma source(%dma_start3A_155 : memref<10112x64xf32, #tpu.memory_space<vmem_shared>>) target(%arg10 : memref<128x64xf32, #tpu.memory_space<vmem>>) offsets(%dma_start3A_152 : memref<128xi32, #tpu.memory_space<vmem>>) semaphore(%arg13 : memref<!tpu.dma_semaphore, #tpu.memory_space<semaphore_mem>>)
      } else {
      }
    }
    %scan3A_44 = arith.constant 27 : i32
    %dma_wait3A_45 = arith.constant 0 : i32
    %dma_wait3A_46 = arith.constant 0 : i32
    %dma_wait3A_47 = tpu.memref_slice %arg5[%dma_wait3A_45, %dma_wait3A_46] : memref<10112x64xf32, #tpu.memory_space<hbm>> -> memref<128x64xf32, #tpu.memory_space<hbm>>
    %dma_wait3A_48 = arith.constant 0 : i32
    %dma_wait3A_49 = arith.constant 0 : i32
    %dma_wait3A_50 = tpu.memref_slice %arg5[%dma_wait3A_48, %dma_wait3A_49] : memref<10112x64xf32, #tpu.memory_space<hbm>> -> memref<128x64xf32, #tpu.memory_space<hbm>>
    tpu.wait_dma2 semaphore(%arg18 : memref<!tpu.dma_semaphore, #tpu.memory_space<semaphore_mem>>) src(%dma_wait3A_50 : memref<128x64xf32, #tpu.memory_space<hbm>>) dst(%arg12 : memref<128x64xf32, #tpu.memory_space<vmem>>)
    %dma_wait3A_51 = arith.constant 0 : i32
    %dma_wait3A_52 = arith.constant 0 : i32
    %dma_wait3A_53 = tpu.memref_slice %arg5[%dma_wait3A_51, %dma_wait3A_52] : memref<10112x64xf32, #tpu.memory_space<hbm>> -> memref<128x64xf32, #tpu.memory_space<hbm>>
    %dma_wait3A_54 = arith.constant 0 : i32
    %dma_wait3A_55 = arith.constant 0 : i32
    %dma_wait3A_56 = tpu.memref_slice %arg5[%dma_wait3A_54, %dma_wait3A_55] : memref<10112x64xf32, #tpu.memory_space<hbm>> -> memref<128x64xf32, #tpu.memory_space<hbm>>
    tpu.wait_dma2 semaphore(%arg17 : memref<!tpu.dma_semaphore, #tpu.memory_space<semaphore_mem>>) src(%dma_wait3A_56 : memref<128x64xf32, #tpu.memory_space<hbm>>) dst(%arg11 : memref<128x64xf32, #tpu.memory_space<vmem>>)
    %barrier3A_57 = arith.constant 0 : index
    tpu.barrier barrier_id(%barrier3A_57)
    %eq3A = arith.constant 0 : i32
    %eq3A_58 = arith.cmpi eq, %arg0, %eq3A : i32
    %convert_element_type3A = arith.extui %eq3A_58 : i1 to i32
    %cond3A = arith.constant 0 : i32
    %cond3A_59 = arith.cmpi ne, %convert_element_type3A, %cond3A : i32
    scf.if %cond3A_59 {
      "tpu.region"() ({
        %run_scoped3A = tpu.sem_alloc : memref<!tpu.dma_semaphore, #tpu.memory_space<semaphore_mem>>
        %dma_start3A_65 = arith.constant 0 : i32
        %dma_start3A_66 = tpu.memref_slice %arg6[%mul3A_2, %dma_start3A_65] : memref<10112x64xf32, #tpu.memory_space<hbm>> -> memref<632x64xf32, #tpu.memory_space<hbm>>
        %dma_start3A_67 = arith.constant 0 : i32
        %dma_start3A_68 = tpu.memref_slice %arg20[%mul3A_2, %dma_start3A_67] : memref<10112x64xf32, #tpu.memory_space<vmem_shared>> -> memref<632x64xf32, #tpu.memory_space<vmem_shared>>
        tpu.enqueue_dma source(%dma_start3A_68 : memref<632x64xf32, #tpu.memory_space<vmem_shared>>) target(%dma_start3A_66 : memref<632x64xf32, #tpu.memory_space<hbm>>) target_semaphore(%run_scoped3A : memref<!tpu.dma_semaphore, #tpu.memory_space<semaphore_mem>>)
        %dma_wait3A_69 = arith.constant 0 : i32
        %dma_wait3A_70 = tpu.memref_slice %arg6[%mul3A_2, %dma_wait3A_69] : memref<10112x64xf32, #tpu.memory_space<hbm>> -> memref<632x64xf32, #tpu.memory_space<hbm>>
        %dma_wait3A_71 = arith.constant 0 : i32
        %dma_wait3A_72 = tpu.memref_slice %arg20[%mul3A_2, %dma_wait3A_71] : memref<10112x64xf32, #tpu.memory_space<vmem_shared>> -> memref<632x64xf32, #tpu.memory_space<vmem_shared>>
        tpu.wait_dma2 semaphore(%run_scoped3A : memref<!tpu.dma_semaphore, #tpu.memory_space<semaphore_mem>>) src(%dma_wait3A_72 : memref<632x64xf32, #tpu.memory_space<vmem_shared>>) dst(%dma_wait3A_70 : memref<632x64xf32, #tpu.memory_space<hbm>>)
        tpu.yield
      }) : () -> ()
    } else {
    }
    %eq3A_60 = arith.constant 1 : i32
    %eq3A_61 = arith.cmpi eq, %arg0, %eq3A_60 : i32
    %convert_element_type3A_62 = arith.extui %eq3A_61 : i1 to i32
    %cond3A_63 = arith.constant 0 : i32
    %cond3A_64 = arith.cmpi ne, %convert_element_type3A_62, %cond3A_63 : i32
    scf.if %cond3A_64 {
      "tpu.region"() ({
        %run_scoped3A = tpu.sem_alloc : memref<!tpu.dma_semaphore, #tpu.memory_space<semaphore_mem>>
        %dma_start3A_65 = arith.constant 0 : i32
        %dma_start3A_66 = tpu.memref_slice %arg7[%mul3A_2, %dma_start3A_65] : memref<10112x64xf32, #tpu.memory_space<hbm>> -> memref<632x64xf32, #tpu.memory_space<hbm>>
        %dma_start3A_67 = arith.constant 0 : i32
        %dma_start3A_68 = tpu.memref_slice %arg20[%mul3A_2, %dma_start3A_67] : memref<10112x64xf32, #tpu.memory_space<vmem_shared>> -> memref<632x64xf32, #tpu.memory_space<vmem_shared>>
        tpu.enqueue_dma source(%dma_start3A_68 : memref<632x64xf32, #tpu.memory_space<vmem_shared>>) target(%dma_start3A_66 : memref<632x64xf32, #tpu.memory_space<hbm>>) target_semaphore(%run_scoped3A : memref<!tpu.dma_semaphore, #tpu.memory_space<semaphore_mem>>)
        %dma_wait3A_69 = arith.constant 0 : i32
        %dma_wait3A_70 = tpu.memref_slice %arg7[%mul3A_2, %dma_wait3A_69] : memref<10112x64xf32, #tpu.memory_space<hbm>> -> memref<632x64xf32, #tpu.memory_space<hbm>>
        %dma_wait3A_71 = arith.constant 0 : i32
        %dma_wait3A_72 = tpu.memref_slice %arg20[%mul3A_2, %dma_wait3A_71] : memref<10112x64xf32, #tpu.memory_space<vmem_shared>> -> memref<632x64xf32, #tpu.memory_space<vmem_shared>>
        tpu.wait_dma2 semaphore(%run_scoped3A : memref<!tpu.dma_semaphore, #tpu.memory_space<semaphore_mem>>) src(%dma_wait3A_72 : memref<632x64xf32, #tpu.memory_space<vmem_shared>>) dst(%dma_wait3A_70 : memref<632x64xf32, #tpu.memory_space<hbm>>)
        tpu.yield
      }) : () -> ()
    } else {
    }
    return
  }
}

#map = affine_map<(d0, d1) -> (0, 0)>
#map1 = affine_map<(d0, d1) -> (0, 0, 0)>
module attributes {stable_mosaic.version = 14 : i64} {
  func.func @k(%arg0: i32, %arg1: i32, %arg2: memref<10112x64xf32, #tpu.memory_space<hbm>>, %arg3: memref<32x81x128xi32, #tpu.memory_space<hbm>>, %arg4: memref<32x81x128xi32, #tpu.memory_space<hbm>>, %arg5: memref<10112x64xf32, #tpu.memory_space<hbm>>, %arg6: memref<10112x64xf32, #tpu.memory_space<hbm>>, %arg7: memref<10112x64xf32, #tpu.memory_space<hbm>>, %arg8: memref<81x128xi32, #tpu.memory_space<vmem>>, %arg9: memref<81x128xi32, #tpu.memory_space<vmem>>, %arg10: memref<128x64xf32, #tpu.memory_space<vmem>>, %arg11: memref<128x64xf32, #tpu.memory_space<vmem>>, %arg12: memref<128x64xf32, #tpu.memory_space<vmem>>, %arg13: memref<!tpu.dma_semaphore, #tpu.memory_space<semaphore_mem>>, %arg14: memref<!tpu.dma_semaphore, #tpu.memory_space<semaphore_mem>>, %arg15: memref<!tpu.dma_semaphore, #tpu.memory_space<semaphore_mem>>, %arg16: memref<!tpu.dma_semaphore, #tpu.memory_space<semaphore_mem>>, %arg17: memref<!tpu.dma_semaphore, #tpu.memory_space<semaphore_mem>>, %arg18: memref<!tpu.dma_semaphore, #tpu.memory_space<semaphore_mem>>, %arg19: memref<!tpu.dma_semaphore, #tpu.memory_space<semaphore_mem>>, %arg20: memref<10112x64xf32, #tpu.memory_space<vmem_shared>>, %arg21: memref<10112x64xf32, #tpu.memory_space<vmem_shared>>) attributes {dimension_semantics = [#tpu.dimension_semantics<core_parallel>, #tpu.dimension_semantics<subcore_parallel>], iteration_bounds = array<i64: 2, 16>, scalar_prefetch = 0 : i64, scratch_operands = 14 : i64, tpu.core_type = #tpu.core_type<sc_vector_subcore>, window_params = [{transform_indices = #map}, {transform_indices = #map1}, {transform_indices = #map1}, {transform_indices = #map}, {transform_indices = #map}, {transform_indices = #map}]} {
    %mul3A = arith.constant 2 : i32
    %mul3A_0 = arith.muli %arg1, %mul3A : i32
    %add3A = arith.addi %mul3A_0, %arg0 : i32
    %mul3A_1 = arith.constant 632 : i32
    %mul3A_2 = arith.muli %arg1, %mul3A_1 : i32
    %dma_start3A = arith.constant 0 : i32
    %dma_start3A_3 = arith.constant 0 : i32
    %dma_start3A_4 = tpu.memref_slice %arg3[%add3A, %dma_start3A, %dma_start3A_3] : memref<32x81x128xi32, #tpu.memory_space<hbm>> -> memref<1x81x128xi32, #tpu.memory_space<hbm>>
    %dma_start3A_5 = tpu.memref_squeeze %dma_start3A_4 : memref<1x81x128xi32, #tpu.memory_space<hbm>> -> memref<81x128xi32, #tpu.memory_space<hbm>>
    %dma_start3A_6 = arith.constant 0 : i32
    %dma_start3A_7 = arith.constant 0 : i32
    %dma_start3A_8 = tpu.memref_slice %arg3[%add3A, %dma_start3A_6, %dma_start3A_7] : memref<32x81x128xi32, #tpu.memory_space<hbm>> -> memref<1x81x128xi32, #tpu.memory_space<hbm>>
    %dma_start3A_9 = tpu.memref_squeeze %dma_start3A_8 : memref<1x81x128xi32, #tpu.memory_space<hbm>> -> memref<81x128xi32, #tpu.memory_space<hbm>>
    tpu.enqueue_dma source(%dma_start3A_9 : memref<81x128xi32, #tpu.memory_space<hbm>>) target(%arg8 : memref<81x128xi32, #tpu.memory_space<vmem>>) target_semaphore(%arg19 : memref<!tpu.dma_semaphore, #tpu.memory_space<semaphore_mem>>)
    %dma_start3A_10 = arith.constant 0 : i32
    %dma_start3A_11 = arith.constant 0 : i32
    %dma_start3A_12 = tpu.memref_slice %arg4[%add3A, %dma_start3A_10, %dma_start3A_11] : memref<32x81x128xi32, #tpu.memory_space<hbm>> -> memref<1x81x128xi32, #tpu.memory_space<hbm>>
    %dma_start3A_13 = tpu.memref_squeeze %dma_start3A_12 : memref<1x81x128xi32, #tpu.memory_space<hbm>> -> memref<81x128xi32, #tpu.memory_space<hbm>>
    %dma_start3A_14 = arith.constant 0 : i32
    %dma_start3A_15 = arith.constant 0 : i32
    %dma_start3A_16 = tpu.memref_slice %arg4[%add3A, %dma_start3A_14, %dma_start3A_15] : memref<32x81x128xi32, #tpu.memory_space<hbm>> -> memref<1x81x128xi32, #tpu.memory_space<hbm>>
    %dma_start3A_17 = tpu.memref_squeeze %dma_start3A_16 : memref<1x81x128xi32, #tpu.memory_space<hbm>> -> memref<81x128xi32, #tpu.memory_space<hbm>>
    tpu.enqueue_dma source(%dma_start3A_17 : memref<81x128xi32, #tpu.memory_space<hbm>>) target(%arg9 : memref<81x128xi32, #tpu.memory_space<vmem>>) target_semaphore(%arg19 : memref<!tpu.dma_semaphore, #tpu.memory_space<semaphore_mem>>)
    "tpu.region"() ({
      %run_scoped3A = tpu.sem_alloc : memref<!tpu.dma_semaphore, #tpu.memory_space<semaphore_mem>>
      %dma_start3A_65 = arith.constant 0 : i32
      %dma_start3A_66 = tpu.memref_slice %arg21[%mul3A_2, %dma_start3A_65] : memref<10112x64xf32, #tpu.memory_space<vmem_shared>> -> memref<632x64xf32, #tpu.memory_space<vmem_shared>>
      %dma_start3A_67 = arith.constant 0 : i32
      %dma_start3A_68 = tpu.memref_slice %arg2[%mul3A_2, %dma_start3A_67] : memref<10112x64xf32, #tpu.memory_space<hbm>> -> memref<632x64xf32, #tpu.memory_space<hbm>>
      tpu.enqueue_dma source(%dma_start3A_68 : memref<632x64xf32, #tpu.memory_space<hbm>>) target(%dma_start3A_66 : memref<632x64xf32, #tpu.memory_space<vmem_shared>>) target_semaphore(%run_scoped3A : memref<!tpu.dma_semaphore, #tpu.memory_space<semaphore_mem>>)
      %dma_wait3A_69 = arith.constant 0 : i32
      %dma_wait3A_70 = tpu.memref_slice %arg21[%mul3A_2, %dma_wait3A_69] : memref<10112x64xf32, #tpu.memory_space<vmem_shared>> -> memref<632x64xf32, #tpu.memory_space<vmem_shared>>
      %dma_wait3A_71 = arith.constant 0 : i32
      %dma_wait3A_72 = tpu.memref_slice %arg2[%mul3A_2, %dma_wait3A_71] : memref<10112x64xf32, #tpu.memory_space<hbm>> -> memref<632x64xf32, #tpu.memory_space<hbm>>
      tpu.wait_dma2 semaphore(%run_scoped3A : memref<!tpu.dma_semaphore, #tpu.memory_space<semaphore_mem>>) src(%dma_wait3A_72 : memref<632x64xf32, #tpu.memory_space<hbm>>) dst(%dma_wait3A_70 : memref<632x64xf32, #tpu.memory_space<vmem_shared>>)
      tpu.yield
    }) : () -> ()
    "tpu.region"() ({
      %run_scoped3A = tpu.sem_alloc : memref<!tpu.dma_semaphore, #tpu.memory_space<semaphore_mem>>
      %dma_start3A_65 = arith.constant 0 : i32
      %dma_start3A_66 = tpu.memref_slice %arg20[%mul3A_2, %dma_start3A_65] : memref<10112x64xf32, #tpu.memory_space<vmem_shared>> -> memref<632x64xf32, #tpu.memory_space<vmem_shared>>
      %dma_start3A_67 = arith.constant 0 : i32
      %dma_start3A_68 = tpu.memref_slice %arg5[%mul3A_2, %dma_start3A_67] : memref<10112x64xf32, #tpu.memory_space<hbm>> -> memref<632x64xf32, #tpu.memory_space<hbm>>
      tpu.enqueue_dma source(%dma_start3A_68 : memref<632x64xf32, #tpu.memory_space<hbm>>) target(%dma_start3A_66 : memref<632x64xf32, #tpu.memory_space<vmem_shared>>) target_semaphore(%run_scoped3A : memref<!tpu.dma_semaphore, #tpu.memory_space<semaphore_mem>>)
      %dma_wait3A_69 = arith.constant 0 : i32
      %dma_wait3A_70 = tpu.memref_slice %arg20[%mul3A_2, %dma_wait3A_69] : memref<10112x64xf32, #tpu.memory_space<vmem_shared>> -> memref<632x64xf32, #tpu.memory_space<vmem_shared>>
      %dma_wait3A_71 = arith.constant 0 : i32
      %dma_wait3A_72 = tpu.memref_slice %arg5[%mul3A_2, %dma_wait3A_71] : memref<10112x64xf32, #tpu.memory_space<hbm>> -> memref<632x64xf32, #tpu.memory_space<hbm>>
      tpu.wait_dma2 semaphore(%run_scoped3A : memref<!tpu.dma_semaphore, #tpu.memory_space<semaphore_mem>>) src(%dma_wait3A_72 : memref<632x64xf32, #tpu.memory_space<hbm>>) dst(%dma_wait3A_70 : memref<632x64xf32, #tpu.memory_space<vmem_shared>>)
      tpu.yield
    }) : () -> ()
    %dma_wait3A = arith.constant 0 : i32
    %dma_wait3A_18 = arith.constant 0 : i32
    %dma_wait3A_19 = tpu.memref_slice %arg3[%add3A, %dma_wait3A, %dma_wait3A_18] : memref<32x81x128xi32, #tpu.memory_space<hbm>> -> memref<1x81x128xi32, #tpu.memory_space<hbm>>
    %dma_wait3A_20 = tpu.memref_squeeze %dma_wait3A_19 : memref<1x81x128xi32, #tpu.memory_space<hbm>> -> memref<81x128xi32, #tpu.memory_space<hbm>>
    %dma_wait3A_21 = arith.constant 0 : i32
    %dma_wait3A_22 = arith.constant 0 : i32
    %dma_wait3A_23 = tpu.memref_slice %arg3[%add3A, %dma_wait3A_21, %dma_wait3A_22] : memref<32x81x128xi32, #tpu.memory_space<hbm>> -> memref<1x81x128xi32, #tpu.memory_space<hbm>>
    %dma_wait3A_24 = tpu.memref_squeeze %dma_wait3A_23 : memref<1x81x128xi32, #tpu.memory_space<hbm>> -> memref<81x128xi32, #tpu.memory_space<hbm>>
    tpu.wait_dma2 semaphore(%arg19 : memref<!tpu.dma_semaphore, #tpu.memory_space<semaphore_mem>>) src(%dma_wait3A_24 : memref<81x128xi32, #tpu.memory_space<hbm>>) dst(%arg8 : memref<81x128xi32, #tpu.memory_space<vmem>>)
    %dma_wait3A_25 = arith.constant 0 : i32
    %dma_wait3A_26 = arith.constant 0 : i32
    %dma_wait3A_27 = tpu.memref_slice %arg4[%add3A, %dma_wait3A_25, %dma_wait3A_26] : memref<32x81x128xi32, #tpu.memory_space<hbm>> -> memref<1x81x128xi32, #tpu.memory_space<hbm>>
    %dma_wait3A_28 = tpu.memref_squeeze %dma_wait3A_27 : memref<1x81x128xi32, #tpu.memory_space<hbm>> -> memref<81x128xi32, #tpu.memory_space<hbm>>
    %dma_wait3A_29 = arith.constant 0 : i32
    %dma_wait3A_30 = arith.constant 0 : i32
    %dma_wait3A_31 = tpu.memref_slice %arg4[%add3A, %dma_wait3A_29, %dma_wait3A_30] : memref<32x81x128xi32, #tpu.memory_space<hbm>> -> memref<1x81x128xi32, #tpu.memory_space<hbm>>
    %dma_wait3A_32 = tpu.memref_squeeze %dma_wait3A_31 : memref<1x81x128xi32, #tpu.memory_space<hbm>> -> memref<81x128xi32, #tpu.memory_space<hbm>>
    tpu.wait_dma2 semaphore(%arg19 : memref<!tpu.dma_semaphore, #tpu.memory_space<semaphore_mem>>) src(%dma_wait3A_32 : memref<81x128xi32, #tpu.memory_space<hbm>>) dst(%arg9 : memref<81x128xi32, #tpu.memory_space<vmem>>)
    %barrier3A = arith.constant 0 : index
    tpu.barrier barrier_id(%barrier3A)
    %dma_start3A_33 = arith.constant 0 : i32
    %dma_start3A_34 = arith.constant 0 : i32
    %dma_start3A_35 = tpu.memref_slice %arg8[%dma_start3A_33, %dma_start3A_34] : memref<81x128xi32, #tpu.memory_space<vmem>> -> memref<1x128xi32, #tpu.memory_space<vmem>>
    %dma_start3A_36 = tpu.memref_squeeze %dma_start3A_35 : memref<1x128xi32, #tpu.memory_space<vmem>> -> memref<128xi32, #tpu.memory_space<vmem>>
    %dma_start3A_37 = arith.constant 0 : i32
    %dma_start3A_38 = arith.constant 0 : i32
    %dma_start3A_39 = tpu.memref_slice %arg21[%dma_start3A_37, %dma_start3A_38] : memref<10112x64xf32, #tpu.memory_space<vmem_shared>> -> memref<10112x64xf32, #tpu.memory_space<vmem_shared>>
    tpu.enqueue_indirect_dma source(%dma_start3A_39 : memref<10112x64xf32, #tpu.memory_space<vmem_shared>>) target(%arg10 : memref<128x64xf32, #tpu.memory_space<vmem>>) offsets(%dma_start3A_36 : memref<128xi32, #tpu.memory_space<vmem>>) semaphore(%arg13 : memref<!tpu.dma_semaphore, #tpu.memory_space<semaphore_mem>>)
    %scan3A = arith.constant 0 : i32
    %scan3A_40 = arith.constant 0 : i32
    %scan3A_41 = arith.constant 27 : i32
    %scan3A_42 = arith.addi %scan3A_40, %scan3A_41 : i32
    %scan3A_43 = arith.constant 1 : i32
    scf.for %scan3A_65 = %scan3A_40 to %scan3A_42 step %scan3A_43  : i32 {
      %mul3A_66 = arith.constant 3 : i32
      %mul3A_67 = arith.muli %scan3A_65, %mul3A_66 : i32
      %add3A_68 = arith.constant 0 : i32
      %add3A_69 = arith.addi %mul3A_67, %add3A_68 : i32
      %dma_wait3A_70 = arith.constant 0 : i32
      %dma_wait3A_71 = arith.constant 0 : i32
      %dma_wait3A_72 = tpu.memref_slice %arg5[%dma_wait3A_70, %dma_wait3A_71] : memref<10112x64xf32, #tpu.memory_space<hbm>> -> memref<128x64xf32, #tpu.memory_space<hbm>>
      %dma_wait3A_73 = arith.constant 0 : i32
      %dma_wait3A_74 = arith.constant 0 : i32
      %dma_wait3A_75 = tpu.memref_slice %arg5[%dma_wait3A_73, %dma_wait3A_74] : memref<10112x64xf32, #tpu.memory_space<hbm>> -> memref<128x64xf32, #tpu.memory_space<hbm>>
      tpu.wait_dma2 semaphore(%arg13 : memref<!tpu.dma_semaphore, #tpu.memory_space<semaphore_mem>>) src(%dma_wait3A_75 : memref<128x64xf32, #tpu.memory_space<hbm>>) dst(%arg10 : memref<128x64xf32, #tpu.memory_space<vmem>>)
      %dma_start3A_76 = arith.constant 0 : i32
      %dma_start3A_77 = tpu.memref_slice %arg9[%add3A_69, %dma_start3A_76] : memref<81x128xi32, #tpu.memory_space<vmem>> -> memref<1x128xi32, #tpu.memory_space<vmem>>
      %dma_start3A_78 = tpu.memref_squeeze %dma_start3A_77 : memref<1x128xi32, #tpu.memory_space<vmem>> -> memref<128xi32, #tpu.memory_space<vmem>>
      %dma_start3A_79 = arith.constant 0 : i32
      %dma_start3A_80 = arith.constant 0 : i32
      %dma_start3A_81 = tpu.memref_slice %arg20[%dma_start3A_79, %dma_start3A_80] : memref<10112x64xf32, #tpu.memory_space<vmem_shared>> -> memref<10112x64xf32, #tpu.memory_space<vmem_shared>>
      tpu.enqueue_indirect_dma source(%arg10 : memref<128x64xf32, #tpu.memory_space<vmem>>) target(%dma_start3A_81 : memref<10112x64xf32, #tpu.memory_space<vmem_shared>>) offsets(%dma_start3A_78 : memref<128xi32, #tpu.memory_space<vmem>>) semaphore(%arg16 : memref<!tpu.dma_semaphore, #tpu.memory_space<semaphore_mem>>) {add = true}
      %ge3A = arith.constant 2 : i32
      %ge3A_82 = arith.cmpi sge, %add3A_69, %ge3A : i32
      %convert_element_type3A_83 = arith.extui %ge3A_82 : i1 to i32
      %cond3A_84 = arith.constant 0 : i32
      %cond3A_85 = arith.cmpi ne, %convert_element_type3A_83, %cond3A_84 : i32
      scf.if %cond3A_85 {
        %dma_wait3A_148 = arith.constant 0 : i32
        %dma_wait3A_149 = arith.constant 0 : i32
        %dma_wait3A_150 = tpu.memref_slice %arg5[%dma_wait3A_148, %dma_wait3A_149] : memref<10112x64xf32, #tpu.memory_space<hbm>> -> memref<128x64xf32, #tpu.memory_space<hbm>>
        %dma_wait3A_151 = arith.constant 0 : i32
        %dma_wait3A_152 = arith.constant 0 : i32
        %dma_wait3A_153 = tpu.memref_slice %arg5[%dma_wait3A_151, %dma_wait3A_152] : memref<10112x64xf32, #tpu.memory_space<hbm>> -> memref<128x64xf32, #tpu.memory_space<hbm>>
        tpu.wait_dma2 semaphore(%arg17 : memref<!tpu.dma_semaphore, #tpu.memory_space<semaphore_mem>>) src(%dma_wait3A_153 : memref<128x64xf32, #tpu.memory_space<hbm>>) dst(%arg11 : memref<128x64xf32, #tpu.memory_space<vmem>>)
      } else {
      }
      %add3A_86 = arith.constant 1 : i32
      %add3A_87 = arith.addi %add3A_69, %add3A_86 : i32
      %lt3A = arith.constant 81 : i32
      %lt3A_88 = arith.cmpi slt, %add3A_87, %lt3A : i32
      %convert_element_type3A_89 = arith.extui %lt3A_88 : i1 to i32
      %cond3A_90 = arith.constant 0 : i32
      %cond3A_91 = arith.cmpi ne, %convert_element_type3A_89, %cond3A_90 : i32
      scf.if %cond3A_91 {
        %add3A_148 = arith.constant 1 : i32
        %add3A_149 = arith.addi %add3A_69, %add3A_148 : i32
        %dma_start3A_150 = arith.constant 0 : i32
        %dma_start3A_151 = tpu.memref_slice %arg8[%add3A_149, %dma_start3A_150] : memref<81x128xi32, #tpu.memory_space<vmem>> -> memref<1x128xi32, #tpu.memory_space<vmem>>
        %dma_start3A_152 = tpu.memref_squeeze %dma_start3A_151 : memref<1x128xi32, #tpu.memory_space<vmem>> -> memref<128xi32, #tpu.memory_space<vmem>>
        %dma_start3A_153 = arith.constant 0 : i32
        %dma_start3A_154 = arith.constant 0 : i32
        %dma_start3A_155 = tpu.memref_slice %arg21[%dma_start3A_153, %dma_start3A_154] : memref<10112x64xf32, #tpu.memory_space<vmem_shared>> -> memref<10112x64xf32, #tpu.memory_space<vmem_shared>>
        tpu.enqueue_indirect_dma source(%dma_start3A_155 : memref<10112x64xf32, #tpu.memory_space<vmem_shared>>) target(%arg11 : memref<128x64xf32, #tpu.memory_space<vmem>>) offsets(%dma_start3A_152 : memref<128xi32, #tpu.memory_space<vmem>>) semaphore(%arg14 : memref<!tpu.dma_semaphore, #tpu.memory_space<semaphore_mem>>)
      } else {
      }
      %mul3A_92 = arith.constant 3 : i32
      %mul3A_93 = arith.muli %scan3A_65, %mul3A_92 : i32
      %add3A_94 = arith.constant 1 : i32
      %add3A_95 = arith.addi %mul3A_93, %add3A_94 : i32
      %dma_wait3A_96 = arith.constant 0 : i32
      %dma_wait3A_97 = arith.constant 0 : i32
      %dma_wait3A_98 = tpu.memref_slice %arg5[%dma_wait3A_96, %dma_wait3A_97] : memref<10112x64xf32, #tpu.memory_space<hbm>> -> memref<128x64xf32, #tpu.memory_space<hbm>>
      %dma_wait3A_99 = arith.constant 0 : i32
      %dma_wait3A_100 = arith.constant 0 : i32
      %dma_wait3A_101 = tpu.memref_slice %arg5[%dma_wait3A_99, %dma_wait3A_100] : memref<10112x64xf32, #tpu.memory_space<hbm>> -> memref<128x64xf32, #tpu.memory_space<hbm>>
      tpu.wait_dma2 semaphore(%arg14 : memref<!tpu.dma_semaphore, #tpu.memory_space<semaphore_mem>>) src(%dma_wait3A_101 : memref<128x64xf32, #tpu.memory_space<hbm>>) dst(%arg11 : memref<128x64xf32, #tpu.memory_space<vmem>>)
      %dma_start3A_102 = arith.constant 0 : i32
      %dma_start3A_103 = tpu.memref_slice %arg9[%add3A_95, %dma_start3A_102] : memref<81x128xi32, #tpu.memory_space<vmem>> -> memref<1x128xi32, #tpu.memory_space<vmem>>
      %dma_start3A_104 = tpu.memref_squeeze %dma_start3A_103 : memref<1x128xi32, #tpu.memory_space<vmem>> -> memref<128xi32, #tpu.memory_space<vmem>>
      %dma_start3A_105 = arith.constant 0 : i32
      %dma_start3A_106 = arith.constant 0 : i32
      %dma_start3A_107 = tpu.memref_slice %arg20[%dma_start3A_105, %dma_start3A_106] : memref<10112x64xf32, #tpu.memory_space<vmem_shared>> -> memref<10112x64xf32, #tpu.memory_space<vmem_shared>>
      tpu.enqueue_indirect_dma source(%arg11 : memref<128x64xf32, #tpu.memory_space<vmem>>) target(%dma_start3A_107 : memref<10112x64xf32, #tpu.memory_space<vmem_shared>>) offsets(%dma_start3A_104 : memref<128xi32, #tpu.memory_space<vmem>>) semaphore(%arg17 : memref<!tpu.dma_semaphore, #tpu.memory_space<semaphore_mem>>) {add = true}
      %ge3A_108 = arith.constant 2 : i32
      %ge3A_109 = arith.cmpi sge, %add3A_95, %ge3A_108 : i32
      %convert_element_type3A_110 = arith.extui %ge3A_109 : i1 to i32
      %cond3A_111 = arith.constant 0 : i32
      %cond3A_112 = arith.cmpi ne, %convert_element_type3A_110, %cond3A_111 : i32
      scf.if %cond3A_112 {
        %dma_wait3A_148 = arith.constant 0 : i32
        %dma_wait3A_149 = arith.constant 0 : i32
        %dma_wait3A_150 = tpu.memref_slice %arg5[%dma_wait3A_148, %dma_wait3A_149] : memref<10112x64xf32, #tpu.memory_space<hbm>> -> memref<128x64xf32, #tpu.memory_space<hbm>>
        %dma_wait3A_151 = arith.constant 0 : i32
        %dma_wait3A_152 = arith.constant 0 : i32
        %dma_wait3A_153 = tpu.memref_slice %arg5[%dma_wait3A_151, %dma_wait3A_152] : memref<10112x64xf32, #tpu.memory_space<hbm>> -> memref<128x64xf32, #tpu.memory_space<hbm>>
        tpu.wait_dma2 semaphore(%arg18 : memref<!tpu.dma_semaphore, #tpu.memory_space<semaphore_mem>>) src(%dma_wait3A_153 : memref<128x64xf32, #tpu.memory_space<hbm>>) dst(%arg12 : memref<128x64xf32, #tpu.memory_space<vmem>>)
      } else {
      }
      %add3A_113 = arith.constant 1 : i32
      %add3A_114 = arith.addi %add3A_95, %add3A_113 : i32
      %lt3A_115 = arith.constant 81 : i32
      %lt3A_116 = arith.cmpi slt, %add3A_114, %lt3A_115 : i32
      %convert_element_type3A_117 = arith.extui %lt3A_116 : i1 to i32
      %cond3A_118 = arith.constant 0 : i32
      %cond3A_119 = arith.cmpi ne, %convert_element_type3A_117, %cond3A_118 : i32
      scf.if %cond3A_119 {
        %add3A_148 = arith.constant 1 : i32
        %add3A_149 = arith.addi %add3A_95, %add3A_148 : i32
        %dma_start3A_150 = arith.constant 0 : i32
        %dma_start3A_151 = tpu.memref_slice %arg8[%add3A_149, %dma_start3A_150] : memref<81x128xi32, #tpu.memory_space<vmem>> -> memref<1x128xi32, #tpu.memory_space<vmem>>
        %dma_start3A_152 = tpu.memref_squeeze %dma_start3A_151 : memref<1x128xi32, #tpu.memory_space<vmem>> -> memref<128xi32, #tpu.memory_space<vmem>>
        %dma_start3A_153 = arith.constant 0 : i32
        %dma_start3A_154 = arith.constant 0 : i32
        %dma_start3A_155 = tpu.memref_slice %arg21[%dma_start3A_153, %dma_start3A_154] : memref<10112x64xf32, #tpu.memory_space<vmem_shared>> -> memref<10112x64xf32, #tpu.memory_space<vmem_shared>>
        tpu.enqueue_indirect_dma source(%dma_start3A_155 : memref<10112x64xf32, #tpu.memory_space<vmem_shared>>) target(%arg12 : memref<128x64xf32, #tpu.memory_space<vmem>>) offsets(%dma_start3A_152 : memref<128xi32, #tpu.memory_space<vmem>>) semaphore(%arg15 : memref<!tpu.dma_semaphore, #tpu.memory_space<semaphore_mem>>)
      } else {
      }
      %mul3A_120 = arith.constant 3 : i32
      %mul3A_121 = arith.muli %scan3A_65, %mul3A_120 : i32
      %add3A_122 = arith.constant 2 : i32
      %add3A_123 = arith.addi %mul3A_121, %add3A_122 : i32
      %dma_wait3A_124 = arith.constant 0 : i32
      %dma_wait3A_125 = arith.constant 0 : i32
      %dma_wait3A_126 = tpu.memref_slice %arg5[%dma_wait3A_124, %dma_wait3A_125] : memref<10112x64xf32, #tpu.memory_space<hbm>> -> memref<128x64xf32, #tpu.memory_space<hbm>>
      %dma_wait3A_127 = arith.constant 0 : i32
      %dma_wait3A_128 = arith.constant 0 : i32
      %dma_wait3A_129 = tpu.memref_slice %arg5[%dma_wait3A_127, %dma_wait3A_128] : memref<10112x64xf32, #tpu.memory_space<hbm>> -> memref<128x64xf32, #tpu.memory_space<hbm>>
      tpu.wait_dma2 semaphore(%arg15 : memref<!tpu.dma_semaphore, #tpu.memory_space<semaphore_mem>>) src(%dma_wait3A_129 : memref<128x64xf32, #tpu.memory_space<hbm>>) dst(%arg12 : memref<128x64xf32, #tpu.memory_space<vmem>>)
      %dma_start3A_130 = arith.constant 0 : i32
      %dma_start3A_131 = tpu.memref_slice %arg9[%add3A_123, %dma_start3A_130] : memref<81x128xi32, #tpu.memory_space<vmem>> -> memref<1x128xi32, #tpu.memory_space<vmem>>
      %dma_start3A_132 = tpu.memref_squeeze %dma_start3A_131 : memref<1x128xi32, #tpu.memory_space<vmem>> -> memref<128xi32, #tpu.memory_space<vmem>>
      %dma_start3A_133 = arith.constant 0 : i32
      %dma_start3A_134 = arith.constant 0 : i32
      %dma_start3A_135 = tpu.memref_slice %arg20[%dma_start3A_133, %dma_start3A_134] : memref<10112x64xf32, #tpu.memory_space<vmem_shared>> -> memref<10112x64xf32, #tpu.memory_space<vmem_shared>>
      tpu.enqueue_indirect_dma source(%arg12 : memref<128x64xf32, #tpu.memory_space<vmem>>) target(%dma_start3A_135 : memref<10112x64xf32, #tpu.memory_space<vmem_shared>>) offsets(%dma_start3A_132 : memref<128xi32, #tpu.memory_space<vmem>>) semaphore(%arg18 : memref<!tpu.dma_semaphore, #tpu.memory_space<semaphore_mem>>) {add = true}
      %ge3A_136 = arith.constant 2 : i32
      %ge3A_137 = arith.cmpi sge, %add3A_123, %ge3A_136 : i32
      %convert_element_type3A_138 = arith.extui %ge3A_137 : i1 to i32
      %cond3A_139 = arith.constant 0 : i32
      %cond3A_140 = arith.cmpi ne, %convert_element_type3A_138, %cond3A_139 : i32
      scf.if %cond3A_140 {
        %dma_wait3A_148 = arith.constant 0 : i32
        %dma_wait3A_149 = arith.constant 0 : i32
        %dma_wait3A_150 = tpu.memref_slice %arg5[%dma_wait3A_148, %dma_wait3A_149] : memref<10112x64xf32, #tpu.memory_space<hbm>> -> memref<128x64xf32, #tpu.memory_space<hbm>>
        %dma_wait3A_151 = arith.constant 0 : i32
        %dma_wait3A_152 = arith.constant 0 : i32
        %dma_wait3A_153 = tpu.memref_slice %arg5[%dma_wait3A_151, %dma_wait3A_152] : memref<10112x64xf32, #tpu.memory_space<hbm>> -> memref<128x64xf32, #tpu.memory_space<hbm>>
        tpu.wait_dma2 semaphore(%arg16 : memref<!tpu.dma_semaphore, #tpu.memory_space<semaphore_mem>>) src(%dma_wait3A_153 : memref<128x64xf32, #tpu.memory_space<hbm>>) dst(%arg10 : memref<128x64xf32, #tpu.memory_space<vmem>>)
      } else {
      }
      %add3A_141 = arith.constant 1 : i32
      %add3A_142 = arith.addi %add3A_123, %add3A_141 : i32
      %lt3A_143 = arith.constant 81 : i32
      %lt3A_144 = arith.cmpi slt, %add3A_142, %lt3A_143 : i32
      %convert_element_type3A_145 = arith.extui %lt3A_144 : i1 to i32
      %cond3A_146 = arith.constant 0 : i32
      %cond3A_147 = arith.cmpi ne, %convert_element_type3A_145, %cond3A_146 : i32
      scf.if %cond3A_147 {
        %add3A_148 = arith.constant 1 : i32
        %add3A_149 = arith.addi %add3A_123, %add3A_148 : i32
        %dma_start3A_150 = arith.constant 0 : i32
        %dma_start3A_151 = tpu.memref_slice %arg8[%add3A_149, %dma_start3A_150] : memref<81x128xi32, #tpu.memory_space<vmem>> -> memref<1x128xi32, #tpu.memory_space<vmem>>
        %dma_start3A_152 = tpu.memref_squeeze %dma_start3A_151 : memref<1x128xi32, #tpu.memory_space<vmem>> -> memref<128xi32, #tpu.memory_space<vmem>>
        %dma_start3A_153 = arith.constant 0 : i32
        %dma_start3A_154 = arith.constant 0 : i32
        %dma_start3A_155 = tpu.memref_slice %arg21[%dma_start3A_153, %dma_start3A_154] : memref<10112x64xf32, #tpu.memory_space<vmem_shared>> -> memref<10112x64xf32, #tpu.memory_space<vmem_shared>>
        tpu.enqueue_indirect_dma source(%dma_start3A_155 : memref<10112x64xf32, #tpu.memory_space<vmem_shared>>) target(%arg10 : memref<128x64xf32, #tpu.memory_space<vmem>>) offsets(%dma_start3A_152 : memref<128xi32, #tpu.memory_space<vmem>>) semaphore(%arg13 : memref<!tpu.dma_semaphore, #tpu.memory_space<semaphore_mem>>)
      } else {
      }
    }
    %scan3A_44 = arith.constant 27 : i32
    %dma_wait3A_45 = arith.constant 0 : i32
    %dma_wait3A_46 = arith.constant 0 : i32
    %dma_wait3A_47 = tpu.memref_slice %arg5[%dma_wait3A_45, %dma_wait3A_46] : memref<10112x64xf32, #tpu.memory_space<hbm>> -> memref<128x64xf32, #tpu.memory_space<hbm>>
    %dma_wait3A_48 = arith.constant 0 : i32
    %dma_wait3A_49 = arith.constant 0 : i32
    %dma_wait3A_50 = tpu.memref_slice %arg5[%dma_wait3A_48, %dma_wait3A_49] : memref<10112x64xf32, #tpu.memory_space<hbm>> -> memref<128x64xf32, #tpu.memory_space<hbm>>
    tpu.wait_dma2 semaphore(%arg18 : memref<!tpu.dma_semaphore, #tpu.memory_space<semaphore_mem>>) src(%dma_wait3A_50 : memref<128x64xf32, #tpu.memory_space<hbm>>) dst(%arg12 : memref<128x64xf32, #tpu.memory_space<vmem>>)
    %dma_wait3A_51 = arith.constant 0 : i32
    %dma_wait3A_52 = arith.constant 0 : i32
    %dma_wait3A_53 = tpu.memref_slice %arg5[%dma_wait3A_51, %dma_wait3A_52] : memref<10112x64xf32, #tpu.memory_space<hbm>> -> memref<128x64xf32, #tpu.memory_space<hbm>>
    %dma_wait3A_54 = arith.constant 0 : i32
    %dma_wait3A_55 = arith.constant 0 : i32
    %dma_wait3A_56 = tpu.memref_slice %arg5[%dma_wait3A_54, %dma_wait3A_55] : memref<10112x64xf32, #tpu.memory_space<hbm>> -> memref<128x64xf32, #tpu.memory_space<hbm>>
    tpu.wait_dma2 semaphore(%arg17 : memref<!tpu.dma_semaphore, #tpu.memory_space<semaphore_mem>>) src(%dma_wait3A_56 : memref<128x64xf32, #tpu.memory_space<hbm>>) dst(%arg11 : memref<128x64xf32, #tpu.memory_space<vmem>>)
    %barrier3A_57 = arith.constant 0 : index
    tpu.barrier barrier_id(%barrier3A_57)
    %eq3A = arith.constant 0 : i32
    %eq3A_58 = arith.cmpi eq, %arg0, %eq3A : i32
    %convert_element_type3A = arith.extui %eq3A_58 : i1 to i32
    %cond3A = arith.constant 0 : i32
    %cond3A_59 = arith.cmpi ne, %convert_element_type3A, %cond3A : i32
    scf.if %cond3A_59 {
      "tpu.region"() ({
        %run_scoped3A = tpu.sem_alloc : memref<!tpu.dma_semaphore, #tpu.memory_space<semaphore_mem>>
        %dma_start3A_65 = arith.constant 0 : i32
        %dma_start3A_66 = tpu.memref_slice %arg6[%mul3A_2, %dma_start3A_65] : memref<10112x64xf32, #tpu.memory_space<hbm>> -> memref<632x64xf32, #tpu.memory_space<hbm>>
        %dma_start3A_67 = arith.constant 0 : i32
        %dma_start3A_68 = tpu.memref_slice %arg20[%mul3A_2, %dma_start3A_67] : memref<10112x64xf32, #tpu.memory_space<vmem_shared>> -> memref<632x64xf32, #tpu.memory_space<vmem_shared>>
        tpu.enqueue_dma source(%dma_start3A_68 : memref<632x64xf32, #tpu.memory_space<vmem_shared>>) target(%dma_start3A_66 : memref<632x64xf32, #tpu.memory_space<hbm>>) target_semaphore(%run_scoped3A : memref<!tpu.dma_semaphore, #tpu.memory_space<semaphore_mem>>)
        %dma_wait3A_69 = arith.constant 0 : i32
        %dma_wait3A_70 = tpu.memref_slice %arg6[%mul3A_2, %dma_wait3A_69] : memref<10112x64xf32, #tpu.memory_space<hbm>> -> memref<632x64xf32, #tpu.memory_space<hbm>>
        %dma_wait3A_71 = arith.constant 0 : i32
        %dma_wait3A_72 = tpu.memref_slice %arg20[%mul3A_2, %dma_wait3A_71] : memref<10112x64xf32, #tpu.memory_space<vmem_shared>> -> memref<632x64xf32, #tpu.memory_space<vmem_shared>>
        tpu.wait_dma2 semaphore(%run_scoped3A : memref<!tpu.dma_semaphore, #tpu.memory_space<semaphore_mem>>) src(%dma_wait3A_72 : memref<632x64xf32, #tpu.memory_space<vmem_shared>>) dst(%dma_wait3A_70 : memref<632x64xf32, #tpu.memory_space<hbm>>)
        tpu.yield
      }) : () -> ()
    } else {
    }
    %eq3A_60 = arith.constant 1 : i32
    %eq3A_61 = arith.cmpi eq, %arg0, %eq3A_60 : i32
    %convert_element_type3A_62 = arith.extui %eq3A_61 : i1 to i32
    %cond3A_63 = arith.constant 0 : i32
    %cond3A_64 = arith.cmpi ne, %convert_element_type3A_62, %cond3A_63 : i32
    scf.if %cond3A_64 {
      "tpu.region"() ({
        %run_scoped3A = tpu.sem_alloc : memref<!tpu.dma_semaphore, #tpu.memory_space<semaphore_mem>>
        %dma_start3A_65 = arith.constant 0 : i32
        %dma_start3A_66 = tpu.memref_slice %arg7[%mul3A_2, %dma_start3A_65] : memref<10112x64xf32, #tpu.memory_space<hbm>> -> memref<632x64xf32, #tpu.memory_space<hbm>>
        %dma_start3A_67 = arith.constant 0 : i32
        %dma_start3A_68 = tpu.memref_slice %arg20[%mul3A_2, %dma_start3A_67] : memref<10112x64xf32, #tpu.memory_space<vmem_shared>> -> memref<632x64xf32, #tpu.memory_space<vmem_shared>>
        tpu.enqueue_dma source(%dma_start3A_68 : memref<632x64xf32, #tpu.memory_space<vmem_shared>>) target(%dma_start3A_66 : memref<632x64xf32, #tpu.memory_space<hbm>>) target_semaphore(%run_scoped3A : memref<!tpu.dma_semaphore, #tpu.memory_space<semaphore_mem>>)
        %dma_wait3A_69 = arith.constant 0 : i32
        %dma_wait3A_70 = tpu.memref_slice %arg7[%mul3A_2, %dma_wait3A_69] : memref<10112x64xf32, #tpu.memory_space<hbm>> -> memref<632x64xf32, #tpu.memory_space<hbm>>
        %dma_wait3A_71 = arith.constant 0 : i32
        %dma_wait3A_72 = tpu.memref_slice %arg20[%mul3A_2, %dma_wait3A_71] : memref<10112x64xf32, #tpu.memory_space<vmem_shared>> -> memref<632x64xf32, #tpu.memory_space<vmem_shared>>
        tpu.wait_dma2 semaphore(%run_scoped3A : memref<!tpu.dma_semaphore, #tpu.memory_space<semaphore_mem>>) src(%dma_wait3A_72 : memref<632x64xf32, #tpu.memory_space<vmem_shared>>) dst(%dma_wait3A_70 : memref<632x64xf32, #tpu.memory_space<hbm>>)
        tpu.yield
      }) : () -> ()
    } else {
    }
    return
  }
}

#map = affine_map<(d0, d1) -> (0, 0, 0)>
#map1 = affine_map<(d0, d1) -> (0, 0)>
module attributes {stable_mosaic.version = 14 : i64} {
  func.func @k(%arg0: i32, %arg1: i32, %arg2: memref<32x81x128xi32, #tpu.memory_space<hbm>>, %arg3: memref<128x16xf32, #tpu.memory_space<hbm>>, %arg4: memref<10112x16xf32, #tpu.memory_space<hbm>>, %arg5: memref<10112x16xf32, #tpu.memory_space<hbm>>, %arg6: memref<10112x16xf32, #tpu.memory_space<hbm>>, %arg7: memref<81x128xi32, #tpu.memory_space<vmem>>, %arg8: memref<128x16xf32, #tpu.memory_space<vmem>>, %arg9: memref<!tpu.dma_semaphore, #tpu.memory_space<semaphore_mem>>, %arg10: memref<!tpu.dma_semaphore, #tpu.memory_space<semaphore_mem>>, %arg11: memref<10112x16xf32, #tpu.memory_space<vmem_shared>>) attributes {dimension_semantics = [#tpu.dimension_semantics<core_parallel>, #tpu.dimension_semantics<subcore_parallel>], iteration_bounds = array<i64: 2, 16>, scalar_prefetch = 0 : i64, scratch_operands = 5 : i64, tpu.core_type = #tpu.core_type<sc_vector_subcore>, window_params = [{transform_indices = #map}, {transform_indices = #map1}, {transform_indices = #map1}, {transform_indices = #map1}, {transform_indices = #map1}]} {
    %mul3A = arith.constant 2 : i32
    %mul3A_0 = arith.muli %arg1, %mul3A : i32
    %add3A = arith.addi %mul3A_0, %arg0 : i32
    %mul3A_1 = arith.constant 632 : i32
    %mul3A_2 = arith.muli %arg1, %mul3A_1 : i32
    %dma_start3A = arith.constant 0 : i32
    %dma_start3A_3 = arith.constant 0 : i32
    %dma_start3A_4 = tpu.memref_slice %arg2[%add3A, %dma_start3A, %dma_start3A_3] : memref<32x81x128xi32, #tpu.memory_space<hbm>> -> memref<1x81x128xi32, #tpu.memory_space<hbm>>
    %dma_start3A_5 = tpu.memref_squeeze %dma_start3A_4 : memref<1x81x128xi32, #tpu.memory_space<hbm>> -> memref<81x128xi32, #tpu.memory_space<hbm>>
    %dma_start3A_6 = arith.constant 0 : i32
    %dma_start3A_7 = arith.constant 0 : i32
    %dma_start3A_8 = tpu.memref_slice %arg2[%add3A, %dma_start3A_6, %dma_start3A_7] : memref<32x81x128xi32, #tpu.memory_space<hbm>> -> memref<1x81x128xi32, #tpu.memory_space<hbm>>
    %dma_start3A_9 = tpu.memref_squeeze %dma_start3A_8 : memref<1x81x128xi32, #tpu.memory_space<hbm>> -> memref<81x128xi32, #tpu.memory_space<hbm>>
    tpu.enqueue_dma source(%dma_start3A_9 : memref<81x128xi32, #tpu.memory_space<hbm>>) target(%arg7 : memref<81x128xi32, #tpu.memory_space<vmem>>) target_semaphore(%arg9 : memref<!tpu.dma_semaphore, #tpu.memory_space<semaphore_mem>>)
    "tpu.region"() ({
      %run_scoped3A = tpu.sem_alloc : memref<!tpu.dma_semaphore, #tpu.memory_space<semaphore_mem>>
      tpu.enqueue_dma source(%arg3 : memref<128x16xf32, #tpu.memory_space<hbm>>) target(%arg8 : memref<128x16xf32, #tpu.memory_space<vmem>>) target_semaphore(%run_scoped3A : memref<!tpu.dma_semaphore, #tpu.memory_space<semaphore_mem>>)
      tpu.wait_dma2 semaphore(%run_scoped3A : memref<!tpu.dma_semaphore, #tpu.memory_space<semaphore_mem>>) src(%arg3 : memref<128x16xf32, #tpu.memory_space<hbm>>) dst(%arg8 : memref<128x16xf32, #tpu.memory_space<vmem>>)
      tpu.yield
    }) : () -> ()
    "tpu.region"() ({
      %run_scoped3A = tpu.sem_alloc : memref<!tpu.dma_semaphore, #tpu.memory_space<semaphore_mem>>
      %dma_start3A_36 = arith.constant 0 : i32
      %dma_start3A_37 = tpu.memref_slice %arg11[%mul3A_2, %dma_start3A_36] : memref<10112x16xf32, #tpu.memory_space<vmem_shared>> -> memref<632x16xf32, #tpu.memory_space<vmem_shared>>
      %dma_start3A_38 = arith.constant 0 : i32
      %dma_start3A_39 = tpu.memref_slice %arg4[%mul3A_2, %dma_start3A_38] : memref<10112x16xf32, #tpu.memory_space<hbm>> -> memref<632x16xf32, #tpu.memory_space<hbm>>
      tpu.enqueue_dma source(%dma_start3A_39 : memref<632x16xf32, #tpu.memory_space<hbm>>) target(%dma_start3A_37 : memref<632x16xf32, #tpu.memory_space<vmem_shared>>) target_semaphore(%run_scoped3A : memref<!tpu.dma_semaphore, #tpu.memory_space<semaphore_mem>>)
      %dma_wait3A_40 = arith.constant 0 : i32
      %dma_wait3A_41 = tpu.memref_slice %arg11[%mul3A_2, %dma_wait3A_40] : memref<10112x16xf32, #tpu.memory_space<vmem_shared>> -> memref<632x16xf32, #tpu.memory_space<vmem_shared>>
      %dma_wait3A_42 = arith.constant 0 : i32
      %dma_wait3A_43 = tpu.memref_slice %arg4[%mul3A_2, %dma_wait3A_42] : memref<10112x16xf32, #tpu.memory_space<hbm>> -> memref<632x16xf32, #tpu.memory_space<hbm>>
      tpu.wait_dma2 semaphore(%run_scoped3A : memref<!tpu.dma_semaphore, #tpu.memory_space<semaphore_mem>>) src(%dma_wait3A_43 : memref<632x16xf32, #tpu.memory_space<hbm>>) dst(%dma_wait3A_41 : memref<632x16xf32, #tpu.memory_space<vmem_shared>>)
      tpu.yield
    }) : () -> ()
    %dma_wait3A = arith.constant 0 : i32
    %dma_wait3A_10 = arith.constant 0 : i32
    %dma_wait3A_11 = tpu.memref_slice %arg2[%add3A, %dma_wait3A, %dma_wait3A_10] : memref<32x81x128xi32, #tpu.memory_space<hbm>> -> memref<1x81x128xi32, #tpu.memory_space<hbm>>
    %dma_wait3A_12 = tpu.memref_squeeze %dma_wait3A_11 : memref<1x81x128xi32, #tpu.memory_space<hbm>> -> memref<81x128xi32, #tpu.memory_space<hbm>>
    %dma_wait3A_13 = arith.constant 0 : i32
    %dma_wait3A_14 = arith.constant 0 : i32
    %dma_wait3A_15 = tpu.memref_slice %arg2[%add3A, %dma_wait3A_13, %dma_wait3A_14] : memref<32x81x128xi32, #tpu.memory_space<hbm>> -> memref<1x81x128xi32, #tpu.memory_space<hbm>>
    %dma_wait3A_16 = tpu.memref_squeeze %dma_wait3A_15 : memref<1x81x128xi32, #tpu.memory_space<hbm>> -> memref<81x128xi32, #tpu.memory_space<hbm>>
    tpu.wait_dma2 semaphore(%arg9 : memref<!tpu.dma_semaphore, #tpu.memory_space<semaphore_mem>>) src(%dma_wait3A_16 : memref<81x128xi32, #tpu.memory_space<hbm>>) dst(%arg7 : memref<81x128xi32, #tpu.memory_space<vmem>>)
    %barrier3A = arith.constant 0 : index
    tpu.barrier barrier_id(%barrier3A)
    %scan3A = arith.constant 0 : i32
    %scan3A_17 = arith.constant 0 : i32
    %scan3A_18 = arith.constant 81 : i32
    %scan3A_19 = arith.addi %scan3A_17, %scan3A_18 : i32
    %scan3A_20 = arith.constant 1 : i32
    scf.for %scan3A_36 = %scan3A_17 to %scan3A_19 step %scan3A_20  : i32 {
      %dma_start3A_37 = arith.constant 0 : i32
      %dma_start3A_38 = tpu.memref_slice %arg7[%scan3A_36, %dma_start3A_37] : memref<81x128xi32, #tpu.memory_space<vmem>> -> memref<1x128xi32, #tpu.memory_space<vmem>>
      %dma_start3A_39 = tpu.memref_squeeze %dma_start3A_38 : memref<1x128xi32, #tpu.memory_space<vmem>> -> memref<128xi32, #tpu.memory_space<vmem>>
      %dma_start3A_40 = arith.constant 0 : i32
      %dma_start3A_41 = arith.constant 0 : i32
      %dma_start3A_42 = tpu.memref_slice %arg11[%dma_start3A_40, %dma_start3A_41] : memref<10112x16xf32, #tpu.memory_space<vmem_shared>> -> memref<10112x16xf32, #tpu.memory_space<vmem_shared>>
      tpu.enqueue_indirect_dma source(%arg8 : memref<128x16xf32, #tpu.memory_space<vmem>>) target(%dma_start3A_42 : memref<10112x16xf32, #tpu.memory_space<vmem_shared>>) offsets(%dma_start3A_39 : memref<128xi32, #tpu.memory_space<vmem>>) semaphore(%arg10 : memref<!tpu.dma_semaphore, #tpu.memory_space<semaphore_mem>>) {add = true}
      %ge3A = arith.constant 16 : i32
      %ge3A_43 = arith.cmpi sge, %scan3A_36, %ge3A : i32
      %convert_element_type3A_44 = arith.extui %ge3A_43 : i1 to i32
      %cond3A_45 = arith.constant 0 : i32
      %cond3A_46 = arith.cmpi ne, %convert_element_type3A_44, %cond3A_45 : i32
      scf.if %cond3A_46 {
        %dma_wait3A_47 = arith.constant 0 : i32
        %dma_wait3A_48 = arith.constant 0 : i32
        %dma_wait3A_49 = tpu.memref_slice %arg4[%dma_wait3A_47, %dma_wait3A_48] : memref<10112x16xf32, #tpu.memory_space<hbm>> -> memref<128x16xf32, #tpu.memory_space<hbm>>
        %dma_wait3A_50 = arith.constant 0 : i32
        %dma_wait3A_51 = arith.constant 0 : i32
        %dma_wait3A_52 = tpu.memref_slice %arg4[%dma_wait3A_50, %dma_wait3A_51] : memref<10112x16xf32, #tpu.memory_space<hbm>> -> memref<128x16xf32, #tpu.memory_space<hbm>>
        tpu.wait_dma2 semaphore(%arg10 : memref<!tpu.dma_semaphore, #tpu.memory_space<semaphore_mem>>) src(%dma_wait3A_52 : memref<128x16xf32, #tpu.memory_space<hbm>>) dst(%arg8 : memref<128x16xf32, #tpu.memory_space<vmem>>)
      } else {
      }
    }
    %scan3A_21 = arith.constant 81 : i32
    %scan3A_22 = arith.constant 0 : i32
    %scan3A_23 = arith.constant 0 : i32
    %scan3A_24 = arith.constant 16 : i32
    %scan3A_25 = arith.addi %scan3A_23, %scan3A_24 : i32
    %scan3A_26 = arith.constant 1 : i32
    scf.for %scan3A_36 = %scan3A_23 to %scan3A_25 step %scan3A_26  : i32 {
      %dma_wait3A_37 = arith.constant 0 : i32
      %dma_wait3A_38 = arith.constant 0 : i32
      %dma_wait3A_39 = tpu.memref_slice %arg4[%dma_wait3A_37, %dma_wait3A_38] : memref<10112x16xf32, #tpu.memory_space<hbm>> -> memref<128x16xf32, #tpu.memory_space<hbm>>
      %dma_wait3A_40 = arith.constant 0 : i32
      %dma_wait3A_41 = arith.constant 0 : i32
      %dma_wait3A_42 = tpu.memref_slice %arg4[%dma_wait3A_40, %dma_wait3A_41] : memref<10112x16xf32, #tpu.memory_space<hbm>> -> memref<128x16xf32, #tpu.memory_space<hbm>>
      tpu.wait_dma2 semaphore(%arg10 : memref<!tpu.dma_semaphore, #tpu.memory_space<semaphore_mem>>) src(%dma_wait3A_42 : memref<128x16xf32, #tpu.memory_space<hbm>>) dst(%arg8 : memref<128x16xf32, #tpu.memory_space<vmem>>)
    }
    %scan3A_27 = arith.constant 16 : i32
    %barrier3A_28 = arith.constant 0 : index
    tpu.barrier barrier_id(%barrier3A_28)
    %eq3A = arith.constant 0 : i32
    %eq3A_29 = arith.cmpi eq, %arg0, %eq3A : i32
    %convert_element_type3A = arith.extui %eq3A_29 : i1 to i32
    %cond3A = arith.constant 0 : i32
    %cond3A_30 = arith.cmpi ne, %convert_element_type3A, %cond3A : i32
    scf.if %cond3A_30 {
      "tpu.region"() ({
        %run_scoped3A = tpu.sem_alloc : memref<!tpu.dma_semaphore, #tpu.memory_space<semaphore_mem>>
        %dma_start3A_36 = arith.constant 0 : i32
        %dma_start3A_37 = tpu.memref_slice %arg5[%mul3A_2, %dma_start3A_36] : memref<10112x16xf32, #tpu.memory_space<hbm>> -> memref<632x16xf32, #tpu.memory_space<hbm>>
        %dma_start3A_38 = arith.constant 0 : i32
        %dma_start3A_39 = tpu.memref_slice %arg11[%mul3A_2, %dma_start3A_38] : memref<10112x16xf32, #tpu.memory_space<vmem_shared>> -> memref<632x16xf32, #tpu.memory_space<vmem_shared>>
        tpu.enqueue_dma source(%dma_start3A_39 : memref<632x16xf32, #tpu.memory_space<vmem_shared>>) target(%dma_start3A_37 : memref<632x16xf32, #tpu.memory_space<hbm>>) target_semaphore(%run_scoped3A : memref<!tpu.dma_semaphore, #tpu.memory_space<semaphore_mem>>)
        %dma_wait3A_40 = arith.constant 0 : i32
        %dma_wait3A_41 = tpu.memref_slice %arg5[%mul3A_2, %dma_wait3A_40] : memref<10112x16xf32, #tpu.memory_space<hbm>> -> memref<632x16xf32, #tpu.memory_space<hbm>>
        %dma_wait3A_42 = arith.constant 0 : i32
        %dma_wait3A_43 = tpu.memref_slice %arg11[%mul3A_2, %dma_wait3A_42] : memref<10112x16xf32, #tpu.memory_space<vmem_shared>> -> memref<632x16xf32, #tpu.memory_space<vmem_shared>>
        tpu.wait_dma2 semaphore(%run_scoped3A : memref<!tpu.dma_semaphore, #tpu.memory_space<semaphore_mem>>) src(%dma_wait3A_43 : memref<632x16xf32, #tpu.memory_space<vmem_shared>>) dst(%dma_wait3A_41 : memref<632x16xf32, #tpu.memory_space<hbm>>)
        tpu.yield
      }) : () -> ()
    } else {
    }
    %eq3A_31 = arith.constant 1 : i32
    %eq3A_32 = arith.cmpi eq, %arg0, %eq3A_31 : i32
    %convert_element_type3A_33 = arith.extui %eq3A_32 : i1 to i32
    %cond3A_34 = arith.constant 0 : i32
    %cond3A_35 = arith.cmpi ne, %convert_element_type3A_33, %cond3A_34 : i32
    scf.if %cond3A_35 {
      "tpu.region"() ({
        %run_scoped3A = tpu.sem_alloc : memref<!tpu.dma_semaphore, #tpu.memory_space<semaphore_mem>>
        %dma_start3A_36 = arith.constant 0 : i32
        %dma_start3A_37 = tpu.memref_slice %arg6[%mul3A_2, %dma_start3A_36] : memref<10112x16xf32, #tpu.memory_space<hbm>> -> memref<632x16xf32, #tpu.memory_space<hbm>>
        %dma_start3A_38 = arith.constant 0 : i32
        %dma_start3A_39 = tpu.memref_slice %arg11[%mul3A_2, %dma_start3A_38] : memref<10112x16xf32, #tpu.memory_space<vmem_shared>> -> memref<632x16xf32, #tpu.memory_space<vmem_shared>>
        tpu.enqueue_dma source(%dma_start3A_39 : memref<632x16xf32, #tpu.memory_space<vmem_shared>>) target(%dma_start3A_37 : memref<632x16xf32, #tpu.memory_space<hbm>>) target_semaphore(%run_scoped3A : memref<!tpu.dma_semaphore, #tpu.memory_space<semaphore_mem>>)
        %dma_wait3A_40 = arith.constant 0 : i32
        %dma_wait3A_41 = tpu.memref_slice %arg6[%mul3A_2, %dma_wait3A_40] : memref<10112x16xf32, #tpu.memory_space<hbm>> -> memref<632x16xf32, #tpu.memory_space<hbm>>
        %dma_wait3A_42 = arith.constant 0 : i32
        %dma_wait3A_43 = tpu.memref_slice %arg11[%mul3A_2, %dma_wait3A_42] : memref<10112x16xf32, #tpu.memory_space<vmem_shared>> -> memref<632x16xf32, #tpu.memory_space<vmem_shared>>
        tpu.wait_dma2 semaphore(%run_scoped3A : memref<!tpu.dma_semaphore, #tpu.memory_space<semaphore_mem>>) src(%dma_wait3A_43 : memref<632x16xf32, #tpu.memory_space<vmem_shared>>) dst(%dma_wait3A_41 : memref<632x16xf32, #tpu.memory_space<hbm>>)
        tpu.yield
      }) : () -> ()
    } else {
    }
    return
  }
}

#map = affine_map<(d0, d1) -> (0, 0)>
#map1 = affine_map<(d0, d1) -> (0, 0, 0)>
module attributes {stable_mosaic.version = 14 : i64} {
  func.func @k(%arg0: i32, %arg1: i32, %arg2: memref<10112x64xf32, #tpu.memory_space<hbm>>, %arg3: memref<32x81x128xi32, #tpu.memory_space<hbm>>, %arg4: memref<32x81x128xi32, #tpu.memory_space<hbm>>, %arg5: memref<10112x64xf32, #tpu.memory_space<hbm>>, %arg6: memref<10112x64xf32, #tpu.memory_space<hbm>>, %arg7: memref<10112x64xf32, #tpu.memory_space<hbm>>, %arg8: memref<81x128xi32, #tpu.memory_space<vmem>>, %arg9: memref<81x128xi32, #tpu.memory_space<vmem>>, %arg10: memref<128x64xf32, #tpu.memory_space<vmem>>, %arg11: memref<128x64xf32, #tpu.memory_space<vmem>>, %arg12: memref<128x64xf32, #tpu.memory_space<vmem>>, %arg13: memref<!tpu.dma_semaphore, #tpu.memory_space<semaphore_mem>>, %arg14: memref<!tpu.dma_semaphore, #tpu.memory_space<semaphore_mem>>, %arg15: memref<!tpu.dma_semaphore, #tpu.memory_space<semaphore_mem>>, %arg16: memref<!tpu.dma_semaphore, #tpu.memory_space<semaphore_mem>>, %arg17: memref<!tpu.dma_semaphore, #tpu.memory_space<semaphore_mem>>, %arg18: memref<!tpu.dma_semaphore, #tpu.memory_space<semaphore_mem>>, %arg19: memref<!tpu.dma_semaphore, #tpu.memory_space<semaphore_mem>>, %arg20: memref<10112x64xf32, #tpu.memory_space<vmem_shared>>, %arg21: memref<10112x64xf32, #tpu.memory_space<vmem_shared>>) attributes {dimension_semantics = [#tpu.dimension_semantics<core_parallel>, #tpu.dimension_semantics<subcore_parallel>], iteration_bounds = array<i64: 2, 16>, scalar_prefetch = 0 : i64, scratch_operands = 14 : i64, tpu.core_type = #tpu.core_type<sc_vector_subcore>, window_params = [{transform_indices = #map}, {transform_indices = #map1}, {transform_indices = #map1}, {transform_indices = #map}, {transform_indices = #map}, {transform_indices = #map}]} {
    %mul3A = arith.constant 2 : i32
    %mul3A_0 = arith.muli %arg1, %mul3A : i32
    %add3A = arith.addi %mul3A_0, %arg0 : i32
    %mul3A_1 = arith.constant 632 : i32
    %mul3A_2 = arith.muli %arg1, %mul3A_1 : i32
    %dma_start3A = arith.constant 0 : i32
    %dma_start3A_3 = arith.constant 0 : i32
    %dma_start3A_4 = tpu.memref_slice %arg3[%add3A, %dma_start3A, %dma_start3A_3] : memref<32x81x128xi32, #tpu.memory_space<hbm>> -> memref<1x81x128xi32, #tpu.memory_space<hbm>>
    %dma_start3A_5 = tpu.memref_squeeze %dma_start3A_4 : memref<1x81x128xi32, #tpu.memory_space<hbm>> -> memref<81x128xi32, #tpu.memory_space<hbm>>
    %dma_start3A_6 = arith.constant 0 : i32
    %dma_start3A_7 = arith.constant 0 : i32
    %dma_start3A_8 = tpu.memref_slice %arg3[%add3A, %dma_start3A_6, %dma_start3A_7] : memref<32x81x128xi32, #tpu.memory_space<hbm>> -> memref<1x81x128xi32, #tpu.memory_space<hbm>>
    %dma_start3A_9 = tpu.memref_squeeze %dma_start3A_8 : memref<1x81x128xi32, #tpu.memory_space<hbm>> -> memref<81x128xi32, #tpu.memory_space<hbm>>
    tpu.enqueue_dma source(%dma_start3A_9 : memref<81x128xi32, #tpu.memory_space<hbm>>) target(%arg8 : memref<81x128xi32, #tpu.memory_space<vmem>>) target_semaphore(%arg19 : memref<!tpu.dma_semaphore, #tpu.memory_space<semaphore_mem>>)
    %dma_start3A_10 = arith.constant 0 : i32
    %dma_start3A_11 = arith.constant 0 : i32
    %dma_start3A_12 = tpu.memref_slice %arg4[%add3A, %dma_start3A_10, %dma_start3A_11] : memref<32x81x128xi32, #tpu.memory_space<hbm>> -> memref<1x81x128xi32, #tpu.memory_space<hbm>>
    %dma_start3A_13 = tpu.memref_squeeze %dma_start3A_12 : memref<1x81x128xi32, #tpu.memory_space<hbm>> -> memref<81x128xi32, #tpu.memory_space<hbm>>
    %dma_start3A_14 = arith.constant 0 : i32
    %dma_start3A_15 = arith.constant 0 : i32
    %dma_start3A_16 = tpu.memref_slice %arg4[%add3A, %dma_start3A_14, %dma_start3A_15] : memref<32x81x128xi32, #tpu.memory_space<hbm>> -> memref<1x81x128xi32, #tpu.memory_space<hbm>>
    %dma_start3A_17 = tpu.memref_squeeze %dma_start3A_16 : memref<1x81x128xi32, #tpu.memory_space<hbm>> -> memref<81x128xi32, #tpu.memory_space<hbm>>
    tpu.enqueue_dma source(%dma_start3A_17 : memref<81x128xi32, #tpu.memory_space<hbm>>) target(%arg9 : memref<81x128xi32, #tpu.memory_space<vmem>>) target_semaphore(%arg19 : memref<!tpu.dma_semaphore, #tpu.memory_space<semaphore_mem>>)
    "tpu.region"() ({
      %run_scoped3A = tpu.sem_alloc : memref<!tpu.dma_semaphore, #tpu.memory_space<semaphore_mem>>
      %dma_start3A_65 = arith.constant 0 : i32
      %dma_start3A_66 = tpu.memref_slice %arg21[%mul3A_2, %dma_start3A_65] : memref<10112x64xf32, #tpu.memory_space<vmem_shared>> -> memref<632x64xf32, #tpu.memory_space<vmem_shared>>
      %dma_start3A_67 = arith.constant 0 : i32
      %dma_start3A_68 = tpu.memref_slice %arg2[%mul3A_2, %dma_start3A_67] : memref<10112x64xf32, #tpu.memory_space<hbm>> -> memref<632x64xf32, #tpu.memory_space<hbm>>
      tpu.enqueue_dma source(%dma_start3A_68 : memref<632x64xf32, #tpu.memory_space<hbm>>) target(%dma_start3A_66 : memref<632x64xf32, #tpu.memory_space<vmem_shared>>) target_semaphore(%run_scoped3A : memref<!tpu.dma_semaphore, #tpu.memory_space<semaphore_mem>>)
      %dma_wait3A_69 = arith.constant 0 : i32
      %dma_wait3A_70 = tpu.memref_slice %arg21[%mul3A_2, %dma_wait3A_69] : memref<10112x64xf32, #tpu.memory_space<vmem_shared>> -> memref<632x64xf32, #tpu.memory_space<vmem_shared>>
      %dma_wait3A_71 = arith.constant 0 : i32
      %dma_wait3A_72 = tpu.memref_slice %arg2[%mul3A_2, %dma_wait3A_71] : memref<10112x64xf32, #tpu.memory_space<hbm>> -> memref<632x64xf32, #tpu.memory_space<hbm>>
      tpu.wait_dma2 semaphore(%run_scoped3A : memref<!tpu.dma_semaphore, #tpu.memory_space<semaphore_mem>>) src(%dma_wait3A_72 : memref<632x64xf32, #tpu.memory_space<hbm>>) dst(%dma_wait3A_70 : memref<632x64xf32, #tpu.memory_space<vmem_shared>>)
      tpu.yield
    }) : () -> ()
    "tpu.region"() ({
      %run_scoped3A = tpu.sem_alloc : memref<!tpu.dma_semaphore, #tpu.memory_space<semaphore_mem>>
      %dma_start3A_65 = arith.constant 0 : i32
      %dma_start3A_66 = tpu.memref_slice %arg20[%mul3A_2, %dma_start3A_65] : memref<10112x64xf32, #tpu.memory_space<vmem_shared>> -> memref<632x64xf32, #tpu.memory_space<vmem_shared>>
      %dma_start3A_67 = arith.constant 0 : i32
      %dma_start3A_68 = tpu.memref_slice %arg5[%mul3A_2, %dma_start3A_67] : memref<10112x64xf32, #tpu.memory_space<hbm>> -> memref<632x64xf32, #tpu.memory_space<hbm>>
      tpu.enqueue_dma source(%dma_start3A_68 : memref<632x64xf32, #tpu.memory_space<hbm>>) target(%dma_start3A_66 : memref<632x64xf32, #tpu.memory_space<vmem_shared>>) target_semaphore(%run_scoped3A : memref<!tpu.dma_semaphore, #tpu.memory_space<semaphore_mem>>)
      %dma_wait3A_69 = arith.constant 0 : i32
      %dma_wait3A_70 = tpu.memref_slice %arg20[%mul3A_2, %dma_wait3A_69] : memref<10112x64xf32, #tpu.memory_space<vmem_shared>> -> memref<632x64xf32, #tpu.memory_space<vmem_shared>>
      %dma_wait3A_71 = arith.constant 0 : i32
      %dma_wait3A_72 = tpu.memref_slice %arg5[%mul3A_2, %dma_wait3A_71] : memref<10112x64xf32, #tpu.memory_space<hbm>> -> memref<632x64xf32, #tpu.memory_space<hbm>>
      tpu.wait_dma2 semaphore(%run_scoped3A : memref<!tpu.dma_semaphore, #tpu.memory_space<semaphore_mem>>) src(%dma_wait3A_72 : memref<632x64xf32, #tpu.memory_space<hbm>>) dst(%dma_wait3A_70 : memref<632x64xf32, #tpu.memory_space<vmem_shared>>)
      tpu.yield
    }) : () -> ()
    %dma_wait3A = arith.constant 0 : i32
    %dma_wait3A_18 = arith.constant 0 : i32
    %dma_wait3A_19 = tpu.memref_slice %arg3[%add3A, %dma_wait3A, %dma_wait3A_18] : memref<32x81x128xi32, #tpu.memory_space<hbm>> -> memref<1x81x128xi32, #tpu.memory_space<hbm>>
    %dma_wait3A_20 = tpu.memref_squeeze %dma_wait3A_19 : memref<1x81x128xi32, #tpu.memory_space<hbm>> -> memref<81x128xi32, #tpu.memory_space<hbm>>
    %dma_wait3A_21 = arith.constant 0 : i32
    %dma_wait3A_22 = arith.constant 0 : i32
    %dma_wait3A_23 = tpu.memref_slice %arg3[%add3A, %dma_wait3A_21, %dma_wait3A_22] : memref<32x81x128xi32, #tpu.memory_space<hbm>> -> memref<1x81x128xi32, #tpu.memory_space<hbm>>
    %dma_wait3A_24 = tpu.memref_squeeze %dma_wait3A_23 : memref<1x81x128xi32, #tpu.memory_space<hbm>> -> memref<81x128xi32, #tpu.memory_space<hbm>>
    tpu.wait_dma2 semaphore(%arg19 : memref<!tpu.dma_semaphore, #tpu.memory_space<semaphore_mem>>) src(%dma_wait3A_24 : memref<81x128xi32, #tpu.memory_space<hbm>>) dst(%arg8 : memref<81x128xi32, #tpu.memory_space<vmem>>)
    %dma_wait3A_25 = arith.constant 0 : i32
    %dma_wait3A_26 = arith.constant 0 : i32
    %dma_wait3A_27 = tpu.memref_slice %arg4[%add3A, %dma_wait3A_25, %dma_wait3A_26] : memref<32x81x128xi32, #tpu.memory_space<hbm>> -> memref<1x81x128xi32, #tpu.memory_space<hbm>>
    %dma_wait3A_28 = tpu.memref_squeeze %dma_wait3A_27 : memref<1x81x128xi32, #tpu.memory_space<hbm>> -> memref<81x128xi32, #tpu.memory_space<hbm>>
    %dma_wait3A_29 = arith.constant 0 : i32
    %dma_wait3A_30 = arith.constant 0 : i32
    %dma_wait3A_31 = tpu.memref_slice %arg4[%add3A, %dma_wait3A_29, %dma_wait3A_30] : memref<32x81x128xi32, #tpu.memory_space<hbm>> -> memref<1x81x128xi32, #tpu.memory_space<hbm>>
    %dma_wait3A_32 = tpu.memref_squeeze %dma_wait3A_31 : memref<1x81x128xi32, #tpu.memory_space<hbm>> -> memref<81x128xi32, #tpu.memory_space<hbm>>
    tpu.wait_dma2 semaphore(%arg19 : memref<!tpu.dma_semaphore, #tpu.memory_space<semaphore_mem>>) src(%dma_wait3A_32 : memref<81x128xi32, #tpu.memory_space<hbm>>) dst(%arg9 : memref<81x128xi32, #tpu.memory_space<vmem>>)
    %barrier3A = arith.constant 0 : index
    tpu.barrier barrier_id(%barrier3A)
    %dma_start3A_33 = arith.constant 0 : i32
    %dma_start3A_34 = arith.constant 0 : i32
    %dma_start3A_35 = tpu.memref_slice %arg8[%dma_start3A_33, %dma_start3A_34] : memref<81x128xi32, #tpu.memory_space<vmem>> -> memref<1x128xi32, #tpu.memory_space<vmem>>
    %dma_start3A_36 = tpu.memref_squeeze %dma_start3A_35 : memref<1x128xi32, #tpu.memory_space<vmem>> -> memref<128xi32, #tpu.memory_space<vmem>>
    %dma_start3A_37 = arith.constant 0 : i32
    %dma_start3A_38 = arith.constant 0 : i32
    %dma_start3A_39 = tpu.memref_slice %arg21[%dma_start3A_37, %dma_start3A_38] : memref<10112x64xf32, #tpu.memory_space<vmem_shared>> -> memref<10112x64xf32, #tpu.memory_space<vmem_shared>>
    tpu.enqueue_indirect_dma source(%dma_start3A_39 : memref<10112x64xf32, #tpu.memory_space<vmem_shared>>) target(%arg10 : memref<128x64xf32, #tpu.memory_space<vmem>>) offsets(%dma_start3A_36 : memref<128xi32, #tpu.memory_space<vmem>>) semaphore(%arg13 : memref<!tpu.dma_semaphore, #tpu.memory_space<semaphore_mem>>)
    %scan3A = arith.constant 0 : i32
    %scan3A_40 = arith.constant 0 : i32
    %scan3A_41 = arith.constant 27 : i32
    %scan3A_42 = arith.addi %scan3A_40, %scan3A_41 : i32
    %scan3A_43 = arith.constant 1 : i32
    scf.for %scan3A_65 = %scan3A_40 to %scan3A_42 step %scan3A_43  : i32 {
      %mul3A_66 = arith.constant 3 : i32
      %mul3A_67 = arith.muli %scan3A_65, %mul3A_66 : i32
      %add3A_68 = arith.constant 0 : i32
      %add3A_69 = arith.addi %mul3A_67, %add3A_68 : i32
      %dma_wait3A_70 = arith.constant 0 : i32
      %dma_wait3A_71 = arith.constant 0 : i32
      %dma_wait3A_72 = tpu.memref_slice %arg5[%dma_wait3A_70, %dma_wait3A_71] : memref<10112x64xf32, #tpu.memory_space<hbm>> -> memref<128x64xf32, #tpu.memory_space<hbm>>
      %dma_wait3A_73 = arith.constant 0 : i32
      %dma_wait3A_74 = arith.constant 0 : i32
      %dma_wait3A_75 = tpu.memref_slice %arg5[%dma_wait3A_73, %dma_wait3A_74] : memref<10112x64xf32, #tpu.memory_space<hbm>> -> memref<128x64xf32, #tpu.memory_space<hbm>>
      tpu.wait_dma2 semaphore(%arg13 : memref<!tpu.dma_semaphore, #tpu.memory_space<semaphore_mem>>) src(%dma_wait3A_75 : memref<128x64xf32, #tpu.memory_space<hbm>>) dst(%arg10 : memref<128x64xf32, #tpu.memory_space<vmem>>)
      %dma_start3A_76 = arith.constant 0 : i32
      %dma_start3A_77 = tpu.memref_slice %arg9[%add3A_69, %dma_start3A_76] : memref<81x128xi32, #tpu.memory_space<vmem>> -> memref<1x128xi32, #tpu.memory_space<vmem>>
      %dma_start3A_78 = tpu.memref_squeeze %dma_start3A_77 : memref<1x128xi32, #tpu.memory_space<vmem>> -> memref<128xi32, #tpu.memory_space<vmem>>
      %dma_start3A_79 = arith.constant 0 : i32
      %dma_start3A_80 = arith.constant 0 : i32
      %dma_start3A_81 = tpu.memref_slice %arg20[%dma_start3A_79, %dma_start3A_80] : memref<10112x64xf32, #tpu.memory_space<vmem_shared>> -> memref<10112x64xf32, #tpu.memory_space<vmem_shared>>
      tpu.enqueue_indirect_dma source(%arg10 : memref<128x64xf32, #tpu.memory_space<vmem>>) target(%dma_start3A_81 : memref<10112x64xf32, #tpu.memory_space<vmem_shared>>) offsets(%dma_start3A_78 : memref<128xi32, #tpu.memory_space<vmem>>) semaphore(%arg16 : memref<!tpu.dma_semaphore, #tpu.memory_space<semaphore_mem>>) {add = true}
      %ge3A = arith.constant 2 : i32
      %ge3A_82 = arith.cmpi sge, %add3A_69, %ge3A : i32
      %convert_element_type3A_83 = arith.extui %ge3A_82 : i1 to i32
      %cond3A_84 = arith.constant 0 : i32
      %cond3A_85 = arith.cmpi ne, %convert_element_type3A_83, %cond3A_84 : i32
      scf.if %cond3A_85 {
        %dma_wait3A_148 = arith.constant 0 : i32
        %dma_wait3A_149 = arith.constant 0 : i32
        %dma_wait3A_150 = tpu.memref_slice %arg5[%dma_wait3A_148, %dma_wait3A_149] : memref<10112x64xf32, #tpu.memory_space<hbm>> -> memref<128x64xf32, #tpu.memory_space<hbm>>
        %dma_wait3A_151 = arith.constant 0 : i32
        %dma_wait3A_152 = arith.constant 0 : i32
        %dma_wait3A_153 = tpu.memref_slice %arg5[%dma_wait3A_151, %dma_wait3A_152] : memref<10112x64xf32, #tpu.memory_space<hbm>> -> memref<128x64xf32, #tpu.memory_space<hbm>>
        tpu.wait_dma2 semaphore(%arg17 : memref<!tpu.dma_semaphore, #tpu.memory_space<semaphore_mem>>) src(%dma_wait3A_153 : memref<128x64xf32, #tpu.memory_space<hbm>>) dst(%arg11 : memref<128x64xf32, #tpu.memory_space<vmem>>)
      } else {
      }
      %add3A_86 = arith.constant 1 : i32
      %add3A_87 = arith.addi %add3A_69, %add3A_86 : i32
      %lt3A = arith.constant 81 : i32
      %lt3A_88 = arith.cmpi slt, %add3A_87, %lt3A : i32
      %convert_element_type3A_89 = arith.extui %lt3A_88 : i1 to i32
      %cond3A_90 = arith.constant 0 : i32
      %cond3A_91 = arith.cmpi ne, %convert_element_type3A_89, %cond3A_90 : i32
      scf.if %cond3A_91 {
        %add3A_148 = arith.constant 1 : i32
        %add3A_149 = arith.addi %add3A_69, %add3A_148 : i32
        %dma_start3A_150 = arith.constant 0 : i32
        %dma_start3A_151 = tpu.memref_slice %arg8[%add3A_149, %dma_start3A_150] : memref<81x128xi32, #tpu.memory_space<vmem>> -> memref<1x128xi32, #tpu.memory_space<vmem>>
        %dma_start3A_152 = tpu.memref_squeeze %dma_start3A_151 : memref<1x128xi32, #tpu.memory_space<vmem>> -> memref<128xi32, #tpu.memory_space<vmem>>
        %dma_start3A_153 = arith.constant 0 : i32
        %dma_start3A_154 = arith.constant 0 : i32
        %dma_start3A_155 = tpu.memref_slice %arg21[%dma_start3A_153, %dma_start3A_154] : memref<10112x64xf32, #tpu.memory_space<vmem_shared>> -> memref<10112x64xf32, #tpu.memory_space<vmem_shared>>
        tpu.enqueue_indirect_dma source(%dma_start3A_155 : memref<10112x64xf32, #tpu.memory_space<vmem_shared>>) target(%arg11 : memref<128x64xf32, #tpu.memory_space<vmem>>) offsets(%dma_start3A_152 : memref<128xi32, #tpu.memory_space<vmem>>) semaphore(%arg14 : memref<!tpu.dma_semaphore, #tpu.memory_space<semaphore_mem>>)
      } else {
      }
      %mul3A_92 = arith.constant 3 : i32
      %mul3A_93 = arith.muli %scan3A_65, %mul3A_92 : i32
      %add3A_94 = arith.constant 1 : i32
      %add3A_95 = arith.addi %mul3A_93, %add3A_94 : i32
      %dma_wait3A_96 = arith.constant 0 : i32
      %dma_wait3A_97 = arith.constant 0 : i32
      %dma_wait3A_98 = tpu.memref_slice %arg5[%dma_wait3A_96, %dma_wait3A_97] : memref<10112x64xf32, #tpu.memory_space<hbm>> -> memref<128x64xf32, #tpu.memory_space<hbm>>
      %dma_wait3A_99 = arith.constant 0 : i32
      %dma_wait3A_100 = arith.constant 0 : i32
      %dma_wait3A_101 = tpu.memref_slice %arg5[%dma_wait3A_99, %dma_wait3A_100] : memref<10112x64xf32, #tpu.memory_space<hbm>> -> memref<128x64xf32, #tpu.memory_space<hbm>>
      tpu.wait_dma2 semaphore(%arg14 : memref<!tpu.dma_semaphore, #tpu.memory_space<semaphore_mem>>) src(%dma_wait3A_101 : memref<128x64xf32, #tpu.memory_space<hbm>>) dst(%arg11 : memref<128x64xf32, #tpu.memory_space<vmem>>)
      %dma_start3A_102 = arith.constant 0 : i32
      %dma_start3A_103 = tpu.memref_slice %arg9[%add3A_95, %dma_start3A_102] : memref<81x128xi32, #tpu.memory_space<vmem>> -> memref<1x128xi32, #tpu.memory_space<vmem>>
      %dma_start3A_104 = tpu.memref_squeeze %dma_start3A_103 : memref<1x128xi32, #tpu.memory_space<vmem>> -> memref<128xi32, #tpu.memory_space<vmem>>
      %dma_start3A_105 = arith.constant 0 : i32
      %dma_start3A_106 = arith.constant 0 : i32
      %dma_start3A_107 = tpu.memref_slice %arg20[%dma_start3A_105, %dma_start3A_106] : memref<10112x64xf32, #tpu.memory_space<vmem_shared>> -> memref<10112x64xf32, #tpu.memory_space<vmem_shared>>
      tpu.enqueue_indirect_dma source(%arg11 : memref<128x64xf32, #tpu.memory_space<vmem>>) target(%dma_start3A_107 : memref<10112x64xf32, #tpu.memory_space<vmem_shared>>) offsets(%dma_start3A_104 : memref<128xi32, #tpu.memory_space<vmem>>) semaphore(%arg17 : memref<!tpu.dma_semaphore, #tpu.memory_space<semaphore_mem>>) {add = true}
      %ge3A_108 = arith.constant 2 : i32
      %ge3A_109 = arith.cmpi sge, %add3A_95, %ge3A_108 : i32
      %convert_element_type3A_110 = arith.extui %ge3A_109 : i1 to i32
      %cond3A_111 = arith.constant 0 : i32
      %cond3A_112 = arith.cmpi ne, %convert_element_type3A_110, %cond3A_111 : i32
      scf.if %cond3A_112 {
        %dma_wait3A_148 = arith.constant 0 : i32
        %dma_wait3A_149 = arith.constant 0 : i32
        %dma_wait3A_150 = tpu.memref_slice %arg5[%dma_wait3A_148, %dma_wait3A_149] : memref<10112x64xf32, #tpu.memory_space<hbm>> -> memref<128x64xf32, #tpu.memory_space<hbm>>
        %dma_wait3A_151 = arith.constant 0 : i32
        %dma_wait3A_152 = arith.constant 0 : i32
        %dma_wait3A_153 = tpu.memref_slice %arg5[%dma_wait3A_151, %dma_wait3A_152] : memref<10112x64xf32, #tpu.memory_space<hbm>> -> memref<128x64xf32, #tpu.memory_space<hbm>>
        tpu.wait_dma2 semaphore(%arg18 : memref<!tpu.dma_semaphore, #tpu.memory_space<semaphore_mem>>) src(%dma_wait3A_153 : memref<128x64xf32, #tpu.memory_space<hbm>>) dst(%arg12 : memref<128x64xf32, #tpu.memory_space<vmem>>)
      } else {
      }
      %add3A_113 = arith.constant 1 : i32
      %add3A_114 = arith.addi %add3A_95, %add3A_113 : i32
      %lt3A_115 = arith.constant 81 : i32
      %lt3A_116 = arith.cmpi slt, %add3A_114, %lt3A_115 : i32
      %convert_element_type3A_117 = arith.extui %lt3A_116 : i1 to i32
      %cond3A_118 = arith.constant 0 : i32
      %cond3A_119 = arith.cmpi ne, %convert_element_type3A_117, %cond3A_118 : i32
      scf.if %cond3A_119 {
        %add3A_148 = arith.constant 1 : i32
        %add3A_149 = arith.addi %add3A_95, %add3A_148 : i32
        %dma_start3A_150 = arith.constant 0 : i32
        %dma_start3A_151 = tpu.memref_slice %arg8[%add3A_149, %dma_start3A_150] : memref<81x128xi32, #tpu.memory_space<vmem>> -> memref<1x128xi32, #tpu.memory_space<vmem>>
        %dma_start3A_152 = tpu.memref_squeeze %dma_start3A_151 : memref<1x128xi32, #tpu.memory_space<vmem>> -> memref<128xi32, #tpu.memory_space<vmem>>
        %dma_start3A_153 = arith.constant 0 : i32
        %dma_start3A_154 = arith.constant 0 : i32
        %dma_start3A_155 = tpu.memref_slice %arg21[%dma_start3A_153, %dma_start3A_154] : memref<10112x64xf32, #tpu.memory_space<vmem_shared>> -> memref<10112x64xf32, #tpu.memory_space<vmem_shared>>
        tpu.enqueue_indirect_dma source(%dma_start3A_155 : memref<10112x64xf32, #tpu.memory_space<vmem_shared>>) target(%arg12 : memref<128x64xf32, #tpu.memory_space<vmem>>) offsets(%dma_start3A_152 : memref<128xi32, #tpu.memory_space<vmem>>) semaphore(%arg15 : memref<!tpu.dma_semaphore, #tpu.memory_space<semaphore_mem>>)
      } else {
      }
      %mul3A_120 = arith.constant 3 : i32
      %mul3A_121 = arith.muli %scan3A_65, %mul3A_120 : i32
      %add3A_122 = arith.constant 2 : i32
      %add3A_123 = arith.addi %mul3A_121, %add3A_122 : i32
      %dma_wait3A_124 = arith.constant 0 : i32
      %dma_wait3A_125 = arith.constant 0 : i32
      %dma_wait3A_126 = tpu.memref_slice %arg5[%dma_wait3A_124, %dma_wait3A_125] : memref<10112x64xf32, #tpu.memory_space<hbm>> -> memref<128x64xf32, #tpu.memory_space<hbm>>
      %dma_wait3A_127 = arith.constant 0 : i32
      %dma_wait3A_128 = arith.constant 0 : i32
      %dma_wait3A_129 = tpu.memref_slice %arg5[%dma_wait3A_127, %dma_wait3A_128] : memref<10112x64xf32, #tpu.memory_space<hbm>> -> memref<128x64xf32, #tpu.memory_space<hbm>>
      tpu.wait_dma2 semaphore(%arg15 : memref<!tpu.dma_semaphore, #tpu.memory_space<semaphore_mem>>) src(%dma_wait3A_129 : memref<128x64xf32, #tpu.memory_space<hbm>>) dst(%arg12 : memref<128x64xf32, #tpu.memory_space<vmem>>)
      %dma_start3A_130 = arith.constant 0 : i32
      %dma_start3A_131 = tpu.memref_slice %arg9[%add3A_123, %dma_start3A_130] : memref<81x128xi32, #tpu.memory_space<vmem>> -> memref<1x128xi32, #tpu.memory_space<vmem>>
      %dma_start3A_132 = tpu.memref_squeeze %dma_start3A_131 : memref<1x128xi32, #tpu.memory_space<vmem>> -> memref<128xi32, #tpu.memory_space<vmem>>
      %dma_start3A_133 = arith.constant 0 : i32
      %dma_start3A_134 = arith.constant 0 : i32
      %dma_start3A_135 = tpu.memref_slice %arg20[%dma_start3A_133, %dma_start3A_134] : memref<10112x64xf32, #tpu.memory_space<vmem_shared>> -> memref<10112x64xf32, #tpu.memory_space<vmem_shared>>
      tpu.enqueue_indirect_dma source(%arg12 : memref<128x64xf32, #tpu.memory_space<vmem>>) target(%dma_start3A_135 : memref<10112x64xf32, #tpu.memory_space<vmem_shared>>) offsets(%dma_start3A_132 : memref<128xi32, #tpu.memory_space<vmem>>) semaphore(%arg18 : memref<!tpu.dma_semaphore, #tpu.memory_space<semaphore_mem>>) {add = true}
      %ge3A_136 = arith.constant 2 : i32
      %ge3A_137 = arith.cmpi sge, %add3A_123, %ge3A_136 : i32
      %convert_element_type3A_138 = arith.extui %ge3A_137 : i1 to i32
      %cond3A_139 = arith.constant 0 : i32
      %cond3A_140 = arith.cmpi ne, %convert_element_type3A_138, %cond3A_139 : i32
      scf.if %cond3A_140 {
        %dma_wait3A_148 = arith.constant 0 : i32
        %dma_wait3A_149 = arith.constant 0 : i32
        %dma_wait3A_150 = tpu.memref_slice %arg5[%dma_wait3A_148, %dma_wait3A_149] : memref<10112x64xf32, #tpu.memory_space<hbm>> -> memref<128x64xf32, #tpu.memory_space<hbm>>
        %dma_wait3A_151 = arith.constant 0 : i32
        %dma_wait3A_152 = arith.constant 0 : i32
        %dma_wait3A_153 = tpu.memref_slice %arg5[%dma_wait3A_151, %dma_wait3A_152] : memref<10112x64xf32, #tpu.memory_space<hbm>> -> memref<128x64xf32, #tpu.memory_space<hbm>>
        tpu.wait_dma2 semaphore(%arg16 : memref<!tpu.dma_semaphore, #tpu.memory_space<semaphore_mem>>) src(%dma_wait3A_153 : memref<128x64xf32, #tpu.memory_space<hbm>>) dst(%arg10 : memref<128x64xf32, #tpu.memory_space<vmem>>)
      } else {
      }
      %add3A_141 = arith.constant 1 : i32
      %add3A_142 = arith.addi %add3A_123, %add3A_141 : i32
      %lt3A_143 = arith.constant 81 : i32
      %lt3A_144 = arith.cmpi slt, %add3A_142, %lt3A_143 : i32
      %convert_element_type3A_145 = arith.extui %lt3A_144 : i1 to i32
      %cond3A_146 = arith.constant 0 : i32
      %cond3A_147 = arith.cmpi ne, %convert_element_type3A_145, %cond3A_146 : i32
      scf.if %cond3A_147 {
        %add3A_148 = arith.constant 1 : i32
        %add3A_149 = arith.addi %add3A_123, %add3A_148 : i32
        %dma_start3A_150 = arith.constant 0 : i32
        %dma_start3A_151 = tpu.memref_slice %arg8[%add3A_149, %dma_start3A_150] : memref<81x128xi32, #tpu.memory_space<vmem>> -> memref<1x128xi32, #tpu.memory_space<vmem>>
        %dma_start3A_152 = tpu.memref_squeeze %dma_start3A_151 : memref<1x128xi32, #tpu.memory_space<vmem>> -> memref<128xi32, #tpu.memory_space<vmem>>
        %dma_start3A_153 = arith.constant 0 : i32
        %dma_start3A_154 = arith.constant 0 : i32
        %dma_start3A_155 = tpu.memref_slice %arg21[%dma_start3A_153, %dma_start3A_154] : memref<10112x64xf32, #tpu.memory_space<vmem_shared>> -> memref<10112x64xf32, #tpu.memory_space<vmem_shared>>
        tpu.enqueue_indirect_dma source(%dma_start3A_155 : memref<10112x64xf32, #tpu.memory_space<vmem_shared>>) target(%arg10 : memref<128x64xf32, #tpu.memory_space<vmem>>) offsets(%dma_start3A_152 : memref<128xi32, #tpu.memory_space<vmem>>) semaphore(%arg13 : memref<!tpu.dma_semaphore, #tpu.memory_space<semaphore_mem>>)
      } else {
      }
    }
    %scan3A_44 = arith.constant 27 : i32
    %dma_wait3A_45 = arith.constant 0 : i32
    %dma_wait3A_46 = arith.constant 0 : i32
    %dma_wait3A_47 = tpu.memref_slice %arg5[%dma_wait3A_45, %dma_wait3A_46] : memref<10112x64xf32, #tpu.memory_space<hbm>> -> memref<128x64xf32, #tpu.memory_space<hbm>>
    %dma_wait3A_48 = arith.constant 0 : i32
    %dma_wait3A_49 = arith.constant 0 : i32
    %dma_wait3A_50 = tpu.memref_slice %arg5[%dma_wait3A_48, %dma_wait3A_49] : memref<10112x64xf32, #tpu.memory_space<hbm>> -> memref<128x64xf32, #tpu.memory_space<hbm>>
    tpu.wait_dma2 semaphore(%arg18 : memref<!tpu.dma_semaphore, #tpu.memory_space<semaphore_mem>>) src(%dma_wait3A_50 : memref<128x64xf32, #tpu.memory_space<hbm>>) dst(%arg12 : memref<128x64xf32, #tpu.memory_space<vmem>>)
    %dma_wait3A_51 = arith.constant 0 : i32
    %dma_wait3A_52 = arith.constant 0 : i32
    %dma_wait3A_53 = tpu.memref_slice %arg5[%dma_wait3A_51, %dma_wait3A_52] : memref<10112x64xf32, #tpu.memory_space<hbm>> -> memref<128x64xf32, #tpu.memory_space<hbm>>
    %dma_wait3A_54 = arith.constant 0 : i32
    %dma_wait3A_55 = arith.constant 0 : i32
    %dma_wait3A_56 = tpu.memref_slice %arg5[%dma_wait3A_54, %dma_wait3A_55] : memref<10112x64xf32, #tpu.memory_space<hbm>> -> memref<128x64xf32, #tpu.memory_space<hbm>>
    tpu.wait_dma2 semaphore(%arg17 : memref<!tpu.dma_semaphore, #tpu.memory_space<semaphore_mem>>) src(%dma_wait3A_56 : memref<128x64xf32, #tpu.memory_space<hbm>>) dst(%arg11 : memref<128x64xf32, #tpu.memory_space<vmem>>)
    %barrier3A_57 = arith.constant 0 : index
    tpu.barrier barrier_id(%barrier3A_57)
    %eq3A = arith.constant 0 : i32
    %eq3A_58 = arith.cmpi eq, %arg0, %eq3A : i32
    %convert_element_type3A = arith.extui %eq3A_58 : i1 to i32
    %cond3A = arith.constant 0 : i32
    %cond3A_59 = arith.cmpi ne, %convert_element_type3A, %cond3A : i32
    scf.if %cond3A_59 {
      "tpu.region"() ({
        %run_scoped3A = tpu.sem_alloc : memref<!tpu.dma_semaphore, #tpu.memory_space<semaphore_mem>>
        %dma_start3A_65 = arith.constant 0 : i32
        %dma_start3A_66 = tpu.memref_slice %arg6[%mul3A_2, %dma_start3A_65] : memref<10112x64xf32, #tpu.memory_space<hbm>> -> memref<632x64xf32, #tpu.memory_space<hbm>>
        %dma_start3A_67 = arith.constant 0 : i32
        %dma_start3A_68 = tpu.memref_slice %arg20[%mul3A_2, %dma_start3A_67] : memref<10112x64xf32, #tpu.memory_space<vmem_shared>> -> memref<632x64xf32, #tpu.memory_space<vmem_shared>>
        tpu.enqueue_dma source(%dma_start3A_68 : memref<632x64xf32, #tpu.memory_space<vmem_shared>>) target(%dma_start3A_66 : memref<632x64xf32, #tpu.memory_space<hbm>>) target_semaphore(%run_scoped3A : memref<!tpu.dma_semaphore, #tpu.memory_space<semaphore_mem>>)
        %dma_wait3A_69 = arith.constant 0 : i32
        %dma_wait3A_70 = tpu.memref_slice %arg6[%mul3A_2, %dma_wait3A_69] : memref<10112x64xf32, #tpu.memory_space<hbm>> -> memref<632x64xf32, #tpu.memory_space<hbm>>
        %dma_wait3A_71 = arith.constant 0 : i32
        %dma_wait3A_72 = tpu.memref_slice %arg20[%mul3A_2, %dma_wait3A_71] : memref<10112x64xf32, #tpu.memory_space<vmem_shared>> -> memref<632x64xf32, #tpu.memory_space<vmem_shared>>
        tpu.wait_dma2 semaphore(%run_scoped3A : memref<!tpu.dma_semaphore, #tpu.memory_space<semaphore_mem>>) src(%dma_wait3A_72 : memref<632x64xf32, #tpu.memory_space<vmem_shared>>) dst(%dma_wait3A_70 : memref<632x64xf32, #tpu.memory_space<hbm>>)
        tpu.yield
      }) : () -> ()
    } else {
    }
    %eq3A_60 = arith.constant 1 : i32
    %eq3A_61 = arith.cmpi eq, %arg0, %eq3A_60 : i32
    %convert_element_type3A_62 = arith.extui %eq3A_61 : i1 to i32
    %cond3A_63 = arith.constant 0 : i32
    %cond3A_64 = arith.cmpi ne, %convert_element_type3A_62, %cond3A_63 : i32
    scf.if %cond3A_64 {
      "tpu.region"() ({
        %run_scoped3A = tpu.sem_alloc : memref<!tpu.dma_semaphore, #tpu.memory_space<semaphore_mem>>
        %dma_start3A_65 = arith.constant 0 : i32
        %dma_start3A_66 = tpu.memref_slice %arg7[%mul3A_2, %dma_start3A_65] : memref<10112x64xf32, #tpu.memory_space<hbm>> -> memref<632x64xf32, #tpu.memory_space<hbm>>
        %dma_start3A_67 = arith.constant 0 : i32
        %dma_start3A_68 = tpu.memref_slice %arg20[%mul3A_2, %dma_start3A_67] : memref<10112x64xf32, #tpu.memory_space<vmem_shared>> -> memref<632x64xf32, #tpu.memory_space<vmem_shared>>
        tpu.enqueue_dma source(%dma_start3A_68 : memref<632x64xf32, #tpu.memory_space<vmem_shared>>) target(%dma_start3A_66 : memref<632x64xf32, #tpu.memory_space<hbm>>) target_semaphore(%run_scoped3A : memref<!tpu.dma_semaphore, #tpu.memory_space<semaphore_mem>>)
        %dma_wait3A_69 = arith.constant 0 : i32
        %dma_wait3A_70 = tpu.memref_slice %arg7[%mul3A_2, %dma_wait3A_69] : memref<10112x64xf32, #tpu.memory_space<hbm>> -> memref<632x64xf32, #tpu.memory_space<hbm>>
        %dma_wait3A_71 = arith.constant 0 : i32
        %dma_wait3A_72 = tpu.memref_slice %arg20[%mul3A_2, %dma_wait3A_71] : memref<10112x64xf32, #tpu.memory_space<vmem_shared>> -> memref<632x64xf32, #tpu.memory_space<vmem_shared>>
        tpu.wait_dma2 semaphore(%run_scoped3A : memref<!tpu.dma_semaphore, #tpu.memory_space<semaphore_mem>>) src(%dma_wait3A_72 : memref<632x64xf32, #tpu.memory_space<vmem_shared>>) dst(%dma_wait3A_70 : memref<632x64xf32, #tpu.memory_space<hbm>>)
        tpu.yield
      }) : () -> ()
    } else {
    }
    return
  }
}

module attributes {stable_mosaic.version = 14 : i64} {
  func.func @body(%arg0: memref<10000x128xf32, #tpu.memory_space<vmem>>, %arg1: memref<128x64xf32, #tpu.memory_space<vmem>>, %arg2: memref<10112x64xf32, #tpu.memory_space<vmem>>) attributes {dimension_semantics = [], scalar_prefetch = 0 : i64, scratch_operands = 0 : i64, tpu.core_type = #tpu.core_type<tc>} {
    %get3A = arith.constant 0 : index
    %get3A_0 = arith.constant 0 : index
    %get3A_1 = vector.load %arg0[%get3A, %get3A_0] : memref<10000x128xf32, #tpu.memory_space<vmem>>, vector<10000x128xf32>
    %get3A_2 = arith.constant 0 : index
    %get3A_3 = arith.constant 0 : index
    %get3A_4 = vector.load %arg1[%get3A_2, %get3A_3] : memref<128x64xf32, #tpu.memory_space<vmem>>, vector<128x64xf32>
    %dot_general3A = arith.constant dense<0.000000e+00> : vector<10000x64xf32>
    %dot_general3A_5 = tpu.matmul %get3A_1, %get3A_4, %dot_general3A {dimension_numbers = #tpu.dot_dimension_numbers<[1], [0], [0], [1], [0, 0, 1, 1], [], []>, transpose_lhs_hint = false} : vector<10000x128xf32>, vector<128x64xf32>, vector<10000x64xf32> -> vector<10000x64xf32>
    %swap3A = arith.constant 0 : index
    %swap3A_6 = arith.constant 0 : index
    %swap3A_7 = vector.load %arg2[%swap3A, %swap3A_6] : memref<10112x64xf32, #tpu.memory_space<vmem>>, vector<10000x64xf32>
    tpu.vector_store %arg2[%swap3A, %swap3A_6], %dot_general3A_5 {strides = array<i32>} : memref<10112x64xf32, #tpu.memory_space<vmem>>, vector<10000x64xf32>,
    %broadcast_in_dim3A = arith.constant 0.000000e+00 : f32
    %broadcast_in_dim3A_8 = vector.broadcast %broadcast_in_dim3A : f32 to vector<112x64xf32>
    %swap3A_9 = arith.constant 10000 : index
    %swap3A_10 = arith.constant 0 : index
    %swap3A_11 = vector.load %arg2[%swap3A_9, %swap3A_10] : memref<10112x64xf32, #tpu.memory_space<vmem>>, vector<112x64xf32>
    tpu.vector_store %arg2[%swap3A_9, %swap3A_10], %broadcast_in_dim3A_8 {strides = array<i32>} : memref<10112x64xf32, #tpu.memory_space<vmem>>, vector<112x64xf32>,
    return
  }
}

module attributes {stable_mosaic.version = 14 : i64} {
  func.func @body(%arg0: memref<10112x16xf32, #tpu.memory_space<vmem>>, %arg1: memref<10112x16xf32, #tpu.memory_space<vmem>>, %arg2: memref<10112x64xf32, #tpu.memory_space<vmem>>, %arg3: memref<10112x64xf32, #tpu.memory_space<vmem>>, %arg4: memref<10112x1xf32, #tpu.memory_space<vmem>>) attributes {dimension_semantics = [], scalar_prefetch = 0 : i64, scratch_operands = 0 : i64, tpu.core_type = #tpu.core_type<tc>} {
    %get3A = arith.constant 0 : index
    %get3A_0 = arith.constant 0 : index
    %get3A_1 = vector.load %arg0[%get3A, %get3A_0] : memref<10112x16xf32, #tpu.memory_space<vmem>>, vector<10112x16xf32>
    %slice3A = vector.extract_strided_slice %get3A_1 {offsets = [0, 0], sizes = [10112, 1], strides = [1, 1]} : vector<10112x16xf32> to vector<10112x1xf32>
    %get3A_2 = arith.constant 0 : index
    %get3A_3 = arith.constant 0 : index
    %get3A_4 = vector.load %arg1[%get3A_2, %get3A_3] : memref<10112x16xf32, #tpu.memory_space<vmem>>, vector<10112x16xf32>
    %slice3A_5 = vector.extract_strided_slice %get3A_4 {offsets = [0, 0], sizes = [10112, 1], strides = [1, 1]} : vector<10112x16xf32> to vector<10112x1xf32>
    %add3A = arith.addf %slice3A, %slice3A_5 : vector<10112x1xf32>
    %add3A_6 = arith.constant 1.000000e+00 : f32
    %add3A_7 = vector.broadcast %add3A_6 : f32 to vector<10112x1xf32>
    %add3A_8 = arith.addf %add3A, %add3A_7 : vector<10112x1xf32>
    %rsqrt3A = math.rsqrt %add3A_8 : vector<10112x1xf32>
    %get3A_9 = arith.constant 0 : index
    %get3A_10 = arith.constant 0 : index
    %get3A_11 = vector.load %arg2[%get3A_9, %get3A_10] : memref<10112x64xf32, #tpu.memory_space<vmem>>, vector<10112x64xf32>
    %mul3A = vector.broadcast %rsqrt3A : vector<10112x1xf32> to vector<10112x64xf32>
    %mul3A_12 = arith.mulf %get3A_11, %mul3A : vector<10112x64xf32>
    %swap3A = arith.constant 0 : index
    %swap3A_13 = arith.constant 0 : index
    %swap3A_14 = vector.load %arg3[%swap3A, %swap3A_13] : memref<10112x64xf32, #tpu.memory_space<vmem>>, vector<10112x64xf32>
    tpu.vector_store %arg3[%swap3A, %swap3A_13], %mul3A_12 {strides = array<i32>} : memref<10112x64xf32, #tpu.memory_space<vmem>>, vector<10112x64xf32>,
    %swap3A_15 = arith.constant 0 : index
    %swap3A_16 = arith.constant 0 : index
    %swap3A_17 = vector.load %arg4[%swap3A_15, %swap3A_16] : memref<10112x1xf32, #tpu.memory_space<vmem>>, vector<10112x1xf32>
    tpu.vector_store %arg4[%swap3A_15, %swap3A_16], %rsqrt3A {strides = array<i32>} : memref<10112x1xf32, #tpu.memory_space<vmem>>, vector<10112x1xf32>,
    return
  }
}

module attributes {stable_mosaic.version = 14 : i64} {
  func.func @body(%arg0: memref<10112x64xf32, #tpu.memory_space<vmem>>, %arg1: memref<10112x64xf32, #tpu.memory_space<vmem>>, %arg2: memref<10112x64xf32, #tpu.memory_space<vmem>>, %arg3: memref<10112x1xf32, #tpu.memory_space<vmem>>, %arg4: memref<1x64xf32, #tpu.memory_space<vmem>>, %arg5: memref<64x64xf32, #tpu.memory_space<vmem>>, %arg6: memref<10112x64xf32, #tpu.memory_space<vmem>>) attributes {dimension_semantics = [], scalar_prefetch = 0 : i64, scratch_operands = 0 : i64, tpu.core_type = #tpu.core_type<tc>} {
    %get3A = arith.constant 0 : index
    %get3A_0 = arith.constant 0 : index
    %get3A_1 = vector.load %arg3[%get3A, %get3A_0] : memref<10112x1xf32, #tpu.memory_space<vmem>>, vector<10112x1xf32>
    %get3A_2 = arith.constant 0 : index
    %get3A_3 = arith.constant 0 : index
    %get3A_4 = vector.load %arg0[%get3A_2, %get3A_3] : memref<10112x64xf32, #tpu.memory_space<vmem>>, vector<10112x64xf32>
    %get3A_5 = arith.constant 0 : index
    %get3A_6 = arith.constant 0 : index
    %get3A_7 = vector.load %arg1[%get3A_5, %get3A_6] : memref<10112x64xf32, #tpu.memory_space<vmem>>, vector<10112x64xf32>
    %add3A = arith.addf %get3A_4, %get3A_7 : vector<10112x64xf32>
    %get3A_8 = arith.constant 0 : index
    %get3A_9 = arith.constant 0 : index
    %get3A_10 = vector.load %arg2[%get3A_8, %get3A_9] : memref<10112x64xf32, #tpu.memory_space<vmem>>, vector<10112x64xf32>
    %add3A_11 = arith.addf %add3A, %get3A_10 : vector<10112x64xf32>
    %mul3A = vector.broadcast %get3A_1 : vector<10112x1xf32> to vector<10112x64xf32>
    %mul3A_12 = arith.mulf %mul3A, %add3A_11 : vector<10112x64xf32>
    %get3A_13 = arith.constant 0 : index
    %get3A_14 = arith.constant 0 : index
    %get3A_15 = vector.load %arg4[%get3A_13, %get3A_14] : memref<1x64xf32, #tpu.memory_space<vmem>>, vector<1x64xf32>
    %add3A_16 = vector.broadcast %get3A_15 : vector<1x64xf32> to vector<10112x64xf32>
    %add3A_17 = arith.addf %mul3A_12, %add3A_16 : vector<10112x64xf32>
    %max3A = arith.constant 0.000000e+00 : f32
    %max3A_18 = vector.broadcast %max3A : f32 to vector<10112x64xf32>
    %max3A_19 = arith.maximumf %add3A_17, %max3A_18 : vector<10112x64xf32>
    %get3A_20 = arith.constant 0 : index
    %get3A_21 = arith.constant 0 : index
    %get3A_22 = vector.load %arg5[%get3A_20, %get3A_21] : memref<64x64xf32, #tpu.memory_space<vmem>>, vector<64x64xf32>
    %dot_general3A = arith.constant dense<0.000000e+00> : vector<10112x64xf32>
    %dot_general3A_23 = tpu.matmul %max3A_19, %get3A_22, %dot_general3A {dimension_numbers = #tpu.dot_dimension_numbers<[1], [0], [0], [1], [0, 0, 1, 1], [], []>, transpose_lhs_hint = false} : vector<10112x64xf32>, vector<64x64xf32>, vector<10112x64xf32> -> vector<10112x64xf32>
    %mul3A_24 = vector.broadcast %get3A_1 : vector<10112x1xf32> to vector<10112x64xf32>
    %mul3A_25 = arith.mulf %dot_general3A_23, %mul3A_24 : vector<10112x64xf32>
    %swap3A = arith.constant 0 : index
    %swap3A_26 = arith.constant 0 : index
    %swap3A_27 = vector.load %arg6[%swap3A, %swap3A_26] : memref<10112x64xf32, #tpu.memory_space<vmem>>, vector<10112x64xf32>
    tpu.vector_store %arg6[%swap3A, %swap3A_26], %mul3A_25 {strides = array<i32>} : memref<10112x64xf32, #tpu.memory_space<vmem>>, vector<10112x64xf32>,
    return
  }
}

module attributes {stable_mosaic.version = 14 : i64} {
  func.func @body(%arg0: memref<10112x64xf32, #tpu.memory_space<vmem>>, %arg1: memref<10112x64xf32, #tpu.memory_space<vmem>>, %arg2: memref<10112x64xf32, #tpu.memory_space<vmem>>, %arg3: memref<10112x1xf32, #tpu.memory_space<vmem>>, %arg4: memref<1x64xf32, #tpu.memory_space<vmem>>, %arg5: memref<64x32xf32, #tpu.memory_space<vmem>>, %arg6: memref<1x32xf32, #tpu.memory_space<vmem>>, %arg7: memref<32x2xf32, #tpu.memory_space<vmem>>, %arg8: memref<1x2xf32, #tpu.memory_space<vmem>>, %arg9: memref<10000x2xf32, #tpu.memory_space<vmem>>) attributes {dimension_semantics = [], scalar_prefetch = 0 : i64, scratch_operands = 0 : i64, tpu.core_type = #tpu.core_type<tc>} {
    %get3A = arith.constant 0 : index
    %get3A_0 = arith.constant 0 : index
    %get3A_1 = vector.load %arg3[%get3A, %get3A_0] : memref<10112x1xf32, #tpu.memory_space<vmem>>, vector<10112x1xf32>
    %slice3A = vector.extract_strided_slice %get3A_1 {offsets = [0, 0], sizes = [10000, 1], strides = [1, 1]} : vector<10112x1xf32> to vector<10000x1xf32>
    %get3A_2 = arith.constant 0 : index
    %get3A_3 = arith.constant 0 : index
    %get3A_4 = vector.load %arg0[%get3A_2, %get3A_3] : memref<10112x64xf32, #tpu.memory_space<vmem>>, vector<10112x64xf32>
    %slice3A_5 = vector.extract_strided_slice %get3A_4 {offsets = [0, 0], sizes = [10000, 64], strides = [1, 1]} : vector<10112x64xf32> to vector<10000x64xf32>
    %get3A_6 = arith.constant 0 : index
    %get3A_7 = arith.constant 0 : index
    %get3A_8 = vector.load %arg1[%get3A_6, %get3A_7] : memref<10112x64xf32, #tpu.memory_space<vmem>>, vector<10112x64xf32>
    %slice3A_9 = vector.extract_strided_slice %get3A_8 {offsets = [0, 0], sizes = [10000, 64], strides = [1, 1]} : vector<10112x64xf32> to vector<10000x64xf32>
    %add3A = arith.addf %slice3A_5, %slice3A_9 : vector<10000x64xf32>
    %get3A_10 = arith.constant 0 : index
    %get3A_11 = arith.constant 0 : index
    %get3A_12 = vector.load %arg2[%get3A_10, %get3A_11] : memref<10112x64xf32, #tpu.memory_space<vmem>>, vector<10112x64xf32>
    %slice3A_13 = vector.extract_strided_slice %get3A_12 {offsets = [0, 0], sizes = [10000, 64], strides = [1, 1]} : vector<10112x64xf32> to vector<10000x64xf32>
    %add3A_14 = arith.addf %add3A, %slice3A_13 : vector<10000x64xf32>
    %mul3A = vector.broadcast %slice3A : vector<10000x1xf32> to vector<10000x64xf32>
    %mul3A_15 = arith.mulf %mul3A, %add3A_14 : vector<10000x64xf32>
    %get3A_16 = arith.constant 0 : index
    %get3A_17 = arith.constant 0 : index
    %get3A_18 = vector.load %arg4[%get3A_16, %get3A_17] : memref<1x64xf32, #tpu.memory_space<vmem>>, vector<1x64xf32>
    %add3A_19 = vector.broadcast %get3A_18 : vector<1x64xf32> to vector<10000x64xf32>
    %add3A_20 = arith.addf %mul3A_15, %add3A_19 : vector<10000x64xf32>
    %max3A = arith.constant 0.000000e+00 : f32
    %max3A_21 = vector.broadcast %max3A : f32 to vector<10000x64xf32>
    %max3A_22 = arith.maximumf %add3A_20, %max3A_21 : vector<10000x64xf32>
    %get3A_23 = arith.constant 0 : index
    %get3A_24 = arith.constant 0 : index
    %get3A_25 = vector.load %arg5[%get3A_23, %get3A_24] : memref<64x32xf32, #tpu.memory_space<vmem>>, vector<64x32xf32>
    %dot_general3A = arith.constant dense<0.000000e+00> : vector<10000x32xf32>
    %dot_general3A_26 = tpu.matmul %max3A_22, %get3A_25, %dot_general3A {dimension_numbers = #tpu.dot_dimension_numbers<[1], [0], [0], [1], [0, 0, 1, 1], [], []>, transpose_lhs_hint = false} : vector<10000x64xf32>, vector<64x32xf32>, vector<10000x32xf32> -> vector<10000x32xf32>
    %get3A_27 = arith.constant 0 : index
    %get3A_28 = arith.constant 0 : index
    %get3A_29 = vector.load %arg6[%get3A_27, %get3A_28] : memref<1x32xf32, #tpu.memory_space<vmem>>, vector<1x32xf32>
    %add3A_30 = vector.broadcast %get3A_29 : vector<1x32xf32> to vector<10000x32xf32>
    %add3A_31 = arith.addf %dot_general3A_26, %add3A_30 : vector<10000x32xf32>
    %max3A_32 = arith.constant 0.000000e+00 : f32
    %max3A_33 = vector.broadcast %max3A_32 : f32 to vector<10000x32xf32>
    %max3A_34 = arith.maximumf %add3A_31, %max3A_33 : vector<10000x32xf32>
    %get3A_35 = arith.constant 0 : index
    %get3A_36 = arith.constant 0 : index
    %get3A_37 = vector.load %arg7[%get3A_35, %get3A_36] : memref<32x2xf32, #tpu.memory_space<vmem>>, vector<32x2xf32>
    %dot_general3A_38 = arith.constant dense<0.000000e+00> : vector<10000x2xf32>
    %dot_general3A_39 = tpu.matmul %max3A_34, %get3A_37, %dot_general3A_38 {dimension_numbers = #tpu.dot_dimension_numbers<[1], [0], [0], [1], [0, 0, 1, 1], [], []>, transpose_lhs_hint = false} : vector<10000x32xf32>, vector<32x2xf32>, vector<10000x2xf32> -> vector<10000x2xf32>
    %get3A_40 = arith.constant 0 : index
    %get3A_41 = arith.constant 0 : index
    %get3A_42 = vector.load %arg8[%get3A_40, %get3A_41] : memref<1x2xf32, #tpu.memory_space<vmem>>, vector<1x2xf32>
    %add3A_43 = vector.broadcast %get3A_42 : vector<1x2xf32> to vector<10000x2xf32>
    %add3A_44 = arith.addf %dot_general3A_39, %add3A_43 : vector<10000x2xf32>
    %reduce_max3A = arith.constant dense<0xFF800000> : vector<10000xf32>
    %reduce_max3A_45 = vector.multi_reduction <maximumf>, %add3A_44, %reduce_max3A [1] : vector<10000x2xf32> to vector<10000xf32>
    %broadcast_in_dim3A = vector.shape_cast %reduce_max3A_45 : vector<10000xf32> to vector<10000x1xf32>
    %sub3A = vector.broadcast %broadcast_in_dim3A : vector<10000x1xf32> to vector<10000x2xf32>
    %sub3A_46 = arith.subf %add3A_44, %sub3A : vector<10000x2xf32>
    %exp3A = math.exp %sub3A_46 : vector<10000x2xf32>
    %reduce_sum3A = arith.constant dense<0.000000e+00> : vector<10000xf32>
    %reduce_sum3A_47 = vector.multi_reduction <add>, %exp3A, %reduce_sum3A [1] : vector<10000x2xf32> to vector<10000xf32>
    %broadcast_in_dim3A_48 = vector.shape_cast %reduce_sum3A_47 : vector<10000xf32> to vector<10000x1xf32>
    %log3A = math.log %broadcast_in_dim3A_48 : vector<10000x1xf32>
    %add3A_49 = arith.addf %broadcast_in_dim3A, %log3A : vector<10000x1xf32>
    %sub3A_50 = vector.broadcast %add3A_49 : vector<10000x1xf32> to vector<10000x2xf32>
    %sub3A_51 = arith.subf %add3A_44, %sub3A_50 : vector<10000x2xf32>
    %swap3A = arith.constant 0 : index
    %swap3A_52 = arith.constant 0 : index
    %swap3A_53 = vector.load %arg9[%swap3A, %swap3A_52] : memref<10000x2xf32, #tpu.memory_space<vmem>>, vector<10000x2xf32>
    tpu.vector_store %arg9[%swap3A, %swap3A_52], %sub3A_51 {strides = array<i32>} : memref<10000x2xf32, #tpu.memory_space<vmem>>, vector<10000x2xf32>,
    return
  }
}

</mosaic_0001>

<sc_bundles>
// kernel: kernel.11.cloned.1.call-start
scs
__scs_entry_jumppad:
0x0: {  	(pc) =	sbr.rel $0x88, $3  }
0x1: {  	(tag) =	ssettag $0x0;
	lr =	simm.s32 $0x1  }
0x2: {  	[smem:$0x3F95] =	sst lr;
	_ =	strace $0xD0000000  }
0x3: {  	_ = 	snop  }
0x4: {  	_ = 	snop  }
0x5: {  	_ = 	snop  }
0x6: {  	_ = 	snop  }
0x7: {  	_ = 	snop  }
__scs_overlays_trampoline_lowered:
0x8: {  	[smem:$0x3FA4] =	sst s0  }
0x9: {  	[smem:$0x3FA5] =	sst s1  }
0xa: {  	[smem:$0x3FA6] =	sst s2  }
0xb: {  	[smem:$0x3FA7] =	sst s3  }
0xc: {  	[smem:$0x3FA8] =	sst s4  }
0xd: {  	[smem:$0x3FA9] =	sst s5  }
0xe: {  	[smem:$0x3FAA] =	sst s6  }
0xf: {  	[smem:$0x3FAB] =	sst s7  }
0x10: {  	[smem:$0x3FAC] =	sst s8  }
0x11: {  	[smem:$0x3FAD] =	sst s9;
	s0 =	simm.s32 @!p0 $0x0  }
0x12: {  	s1 =	sld [smem:$0x3F93];
	s0 =	simm.s32 @p0 $0x1  }
0x13: {  	[smem:$0x3FAE] =	sst s0;
	s0 =	simm.s32 @!p1 $0x0  }
0x14: {  	s2 =	sld [smem:$0x3F92];
	s0 =	simm.s32 @p1 $0x1  }
0x15: {  	[smem:$0x3FAF] =	sst s0;
	s0 =	simm.s32 @!p2 $0x0  }
0x16: {  	s3 =	sld [smem:$0x3FDB];
	s0 =	simm.s32 @p2 $0x1  }
0x17: {  	s4 =	simm.s32 $0x1BF5;
	[smem:$0x3FB1] =	sst s0  }
0x18: {  	s0 =	sld [smem:$0x3F94];
	_ =	swait.ge [sflag:s4], $0x0  }
0x19: {  	s7 =	sld [smem:$0x3F95]  }
0x1a: {  	s8 =	sadd.s32 $0xFFFFE003, lr  }
0x1b: {  	s9 =	sadd.s32 $0xFFFFFEF7, lr;
	s5 =	simm.s32 $0xFFFFFFFF;
	p2 =	slt.u32 s8, $0xFFFFF086  }
0x1c: {  	p1 =	slt.u32 s9, $0xF7A;
	s5 =	simm.s32 @!p2 $0x0  }
0x1d: {  	s5 =	simm.s32 @p1 $0x1;
	p0 =	seq.s32 s7, s2  }
0x1e: {  	s7 =	smul.u32 @!p0 $0xF7A, s2;
	p2 =	seq.s32 @!p0 s5, $0x0  }
0x1f: {  	s9 =	smul.u32 $0xF7A, s1;
	s8 =	simm.s32 @!p0 $0x1BF5;
	p2 =	por !p2, p0  }
0x20: {  	[sflag:s8] =	ssyncset.s32 @!p0 $0xFFFFF086;
	s6 =	sadd.s32 @!p0 s3, s7;
	s7 =	simm.s32 @!p0 $0x108  }
0x21: {  	s3 =	sadd.s32 s3, s9;
	s6 =	sadd.s32 @!p0 $0x88, s6;
	s7 =	simm.s32 @p2 $0x1082  }
0x22: {  	[simem:s7], [sflag:s8] =	dma.local @!p0 [hbm:s6], $0xF7A  }
0x23: {  	s9 =	sor.u32 $0xD0000000, s2;
	s6 =	simm.s32 $0x108;
	_ =	swait.ge @!p0 [sflag:s8], $0x0  }
0x24: {  	s3 =	sadd.s32 $0x88, s3;
	s6 =	simm.s32 @!p1 $0x1082;
	[sflag:s4] =	ssyncset.s32 $0xFFFFF086  }
0x25: {  	[simem:s6], [sflag:s4] =	dma.local [hbm:s3], $0xF7A  }
0x26: {  	[smem:$0x3F95] =	sst s1;
	(tag) =	ssettag s2;
	_ =	strace s9  }
0x27: {  	s1 =	sld [smem:$0x3FA5]  }
0x28: {  	s2 =	sld [smem:$0x3FA6]  }
0x29: {  	s4 =	sld [smem:$0x3FA8]  }
0x2a: {  	p0 =	seq.s32 s5, $0x0;
	s5 =	sld [smem:$0x3FA9]  }
0x2b: {  	s6 =	sld [smem:$0x3FAA]  }
0x2c: {  	s7 =	sld [smem:$0x3FAB]  }
0x2d: {  	s3 =	simm.s32 $0x108;
	s8 =	sld [smem:$0x3FAC]  }
0x2e: {  	s3 =	simm.s32 @!p0 $0x1082;
	s9 =	sld [smem:$0x3FAD]  }
0x2f: {  	lr =	sadd.s32 s0, s3;
	s0 =	sld [smem:$0x3FA4]  }
0x30: {  	s3 =	sld [smem:$0x3FA7]  }
0x31: {  	[smem:$0x3FB0] =	sst s10  }
0x32: {  	s10 =	sld [smem:$0x3FAE];
	_ =	sdelay $0x3  }
0x33: {  	p0 =	seq.s32 s10, $0x1;
	s10 =	sld [smem:$0x3FB0];
	_ =	sdelay $0x3  }
0x34: {  	[smem:$0x3FB0] =	sst s10  }
0x35: {  	s10 =	sld [smem:$0x3FAF];
	_ =	sdelay $0x3  }
0x36: {  	p1 =	seq.s32 s10, $0x1;
	s10 =	sld [smem:$0x3FB0];
	_ =	sdelay $0x3  }
0x37: {  	[smem:$0x3FB0] =	sst s10  }
0x38: {  	s10 =	sld [smem:$0x3FB1]  }
0x39: {  	_ = 	snop;
	(pc) =	sbr.ind lr, $3  }
0x3a: {  	_ = 	snop  }
0x3b: {  	_ = 	snop  }
0x3c: {  	p2 =	seq.s32 s10, $0x1;
	s10 =	sld [smem:$0x3FB0]  }
0x3d: {  	_ =	shalt  }
0x3e: {  	_ =	shalt  }
0x3f: {  	_ =	shalt  }
0x40: {  	_ =	shalt  }
0x41: {  	_ =	shalt  }
0x42: {  	_ =	shalt  }
0x43: {  	_ =	shalt  }
0x44: {  	_ =	shalt  }
0x45: {  	_ =	shalt  }
0x46: {  	_ =	shalt  }
0x47: {  	_ =	shalt  }
0x48: {  	_ =	shalt  }
0x49: {  	_ =	shalt  }
0x4a: {  	_ =	shalt  }
0x4b: {  	_ =	shalt  }
0x4c: {  	_ =	shalt  }
0x4d: {  	_ =	shalt  }
0x4e: {  	_ =	shalt  }
0x4f: {  	_ =	shalt  }
0x50: {  	_ =	shalt  }
0x51: {  	_ =	shalt  }
0x52: {  	_ =	shalt  }
0x53: {  	_ =	shalt  }
0x54: {  	_ =	shalt  }
0x55: {  	_ =	shalt  }
0x56: {  	_ =	shalt  }
0x57: {  	_ =	shalt  }
0x58: {  	_ =	shalt  }
0x59: {  	_ =	shalt  }
0x5a: {  	_ =	shalt  }
0x5b: {  	_ =	shalt  }
0x5c: {  	_ =	shalt  }
0x5d: {  	_ =	shalt  }
0x5e: {  	_ =	shalt  }
0x5f: {  	_ =	shalt  }
0x60: {  	_ =	shalt  }
0x61: {  	_ =	shalt  }
0x62: {  	_ =	shalt  }
0x63: {  	_ =	shalt  }
0x64: {  	_ =	shalt  }
0x65: {  	_ =	shalt  }
0x66: {  	_ =	shalt  }
0x67: {  	_ =	shalt  }
0x68: {  	_ =	shalt  }
0x69: {  	_ =	shalt  }
0x6a: {  	_ =	shalt  }
0x6b: {  	_ =	shalt  }
0x6c: {  	_ =	shalt  }
0x6d: {  	_ =	shalt  }
0x6e: {  	_ =	shalt  }
0x6f: {  	_ =	shalt  }
0x70: {  	_ =	shalt  }
0x71: {  	_ =	shalt  }
0x72: {  	_ =	shalt  }
0x73: {  	_ =	shalt  }
0x74: {  	_ =	shalt  }
0x75: {  	_ =	shalt  }
0x76: {  	_ =	shalt  }
0x77: {  	_ =	shalt  }
0x78: {  	_ =	shalt  }
0x79: {  	_ =	shalt  }
0x7a: {  	_ =	shalt  }
0x7b: {  	_ =	shalt  }
0x7c: {  	_ =	shalt  }
0x7d: {  	_ =	shalt  }
0x7e: {  	_ =	shalt  }
0x7f: {  	_ =	shalt  }
0x80: {  	_ =	shalt  }
0x81: {  	_ =	shalt  }
0x82: {  	_ =	shalt  }
0x83: {  	_ =	shalt  }
0x84: {  	_ =	shalt  }
0x85: {  	_ =	shalt  }
0x86: {  	_ =	shalt  }
0x87: {  	_ =	shalt  }
.Lfunc_end0:
.L_simem_size_0:
called_computation_lowered:
.L_overlay_start_0:
0x88: {  	s2 =	sld [smem:$0x3FD9]  }
0x89: {  	s3 =	sld [smem:$0x3FFE];
	_ =	sdelay $0x1  }
0x8a: {  	s1 =	srdreg.scid  }
0x8b: {  	s0 =	sand.u32 $0x1, s1  }
0x8c: {  	s17 =	sshll.u32 s0, $0xA;
	s2 =	sadd.s32 s3, s2  }
0x8d: {  	s2 =	sadd.s32 s2, s17  }
0x8e: {  	[smem:$0x3FBC] =	sst s2  }
0x8f: {  	_ = 	snop  }
0x90: {  	s2 =	sld [smem:$0x3FD0];
	(tm) =	ssettm $0x1  }
0x91: {  	s18 =	sld [smem:$0x3FFB];
	_ =	sdelay $0x3  }
0x92: {  	_ =	strace s18  }
0x93: {  	s3 =	sld [smem:$0x3FFC];
	_ =	sdelay $0x3  }
0x94: {  	_ =	strace s3  }
0x95: {  	s3 =	sld [smem:$0x3FFD];
	_ =	sdelay $0x3  }
0x96: {  	_ =	strace s3  }
0x97: {  	_ =	strace $0x8FFFFFFF  }
0x98: {  	s19 =	sld [smem:$0x3FDB];
	_ =	sdelay $0x1  }
0x99: {  	s4 =	simm.s32 $_scs_section_size  }
0x9a: {  	s5 =	simm.s32 $_size__tile_overlayer_lowered;
	s6 =	simm.s32 $_tile_overlayer_lowered  }
0x9b: {  	s22 =	simm.s32 $0x1BFF;
	s21 =	sshll.u32 s6, $0x1;
	s3 =	sadd.s32 s4, s19  }
0x9c: {  	s7 =	simm.s32 $0x0;
	s20 =	sshll.u32 s5, $0x1;
	s5 =	sadd.s32 s21, s3  }
0x9d: {  	[timem:s7], [sflag:s22] =	dma.local [hbm:s5], s20  }
0x9e: {  	_ =	swait.ge [sflag:s22], s20  }
0x9f: {  	s4 =	ssub.s32 $0x0, s20;
	[sflag:s22] =	ssyncset.done $0x0  }
0xa0: {  	[sflag:s22] =	ssyncadd.s32 s4;
	_ =	sdelay $0x1  }
0xa1: {  	s23 =	simm.s32 $0x1B8B  }
0xa2: {  	_ =	swait.ge [sflag:s23], $0x1  }
0xa3: {  	[sflag:s23] =	ssyncset.done $0x0  }
0xa4: {  	s25 =	simm.s32 $0x1B8E;
	s24 =	sld [smem:$0x3FFE];
	[sflag:s23] =	ssyncadd.s32 $0xFFFFFFFF  }
0xa5: {  	s26 =	simm.s32 $execute0_lowered;
	[smem:$0x3FD2] =	sst s25  }
0xa6: {  	s5 =	sshll.u32 s26, $0x1;
	_ =	strace $0x80000046;
	[dreg:$0x1] =	wrdreg $0xFFFFFFFF  }
0xa7: {  	s28 =	simm.s32 $_size_execute0_lowered;
	s3 =	sadd.s32 s3, s5;
	[dreg:$0x0] =	wrdreg $0x0  }
0xa8: {  	s5 =	sshll.u32 s28, $0x1;
	[dreg:$0x2] =	wrdreg s3  }
0xa9: {  	[dreg:$0x3] =	wrdreg s5  }
0xaa: {  	[dreg:$0x4] =	wrdreg $0xC0  }
0xab: {  	_ =	task [dreg:s7], $0x5FFFF  }
0xac: {  	[dreg:$0x1] =	wrdreg $0xFFFFFFFF  }
0xad: {  	[dreg:$0x0] =	wrdreg $0x60  }
0xae: {  	[dreg:$0x2] =	wrdreg s24  }
0xaf: {  	[dreg:$0x3] =	wrdreg s2  }
0xb0: {  	[dreg:$0x4] =	wrdreg $0x30800  }
0xb1: {  	[dreg:$0x5] =	wrdreg $0x9  }
0xb2: {  	_ =	task.clear_ibuf [dreg:s7], $0x6FFFF;
	_ =	strace $0x90000046  }
0xb3: {  	s29 =	simm.s32 $0x9;
	_ =	strace $0x80000048  }
0xb4: {  	_ =	swait.ge [sflag:s29], $0x1  }
0xb5: {  	[sflag:s29] =	ssyncadd.s32 $0xFFFFFFFF  }
0xb6: {  	_ =	strace $0x90000048  }
0xb7: {  	_ =	sfence  }
0xb8: {  	s30 =	sld [smem:$0x0];
	_ =	sdelay $0x2  }
0xb9: {  	s31 =	sshll.u32 s1, $0xD;
	s1 =	sshrl.u32 s1, $0x2  }
0xba: {  	s3 =	sand.u32 $0x4000, s31;
	s1 =	sadd.s32 s1, s30  }
0xbb: {  	s0 =	sor.u32 s3, s0;
	s1 =	sshll.u32 s1, $0x11  }
0xbc: {  	s0 =	sor.u32 s1, s0  }
0xbd: {  	s0 =	sadd.s32 $0x8F2B, s0  }
0xbe: {  	[sflag:s0] =	ssyncadd.remote.s32 $0x1  }
0xbf: {  	_ =	sfence.sel $0xFFFF  }
0xc0: {  	[dreg:$0x0] =	wrdreg $0xFFFFFFFF;
	(pc) =	sbr.abs _section_cstart, $3  }
0xc1: {  	[dreg:$0x1] =	wrdreg $0xFFFFFFFF  }
0xc2: {  	_ =	task.clear_ibuf [dreg:s7], $0x2FFFF;
	_ =	strace $0x9FFFFFFF  }
0xc3: {  	(tm) =	ssettm $0x7FFFFFFF  }
tec
execute0_lowered:
.L_overlay_start_1:
0x0: {  	(tag) =	ssettag $0x1  }
0x1: {  	s5 =	rddreg [dreg:$0x0]  }
0x2: {  	s2 =	rddreg [dreg:$0x1]  }
0x3: {  	s3 =	rddreg [dreg:$0x2];
	s4 =	srdreg.scid  }
0x4: {  	s1 =	stileid.u32;
	s0 =	rddreg [dreg:$0x3];
	s11 =	simm.s32 $0x13E00  }
0x5: {  	s13 =	simm.s32 $0x1;
	s14 =	simm.s32 $0x80;
	s15 =	simm.s32 $0x2  }
0x6: {  	s16 =	simm.s32 $0x0;
	s6 =	sand.u32 $0x1, s4;
	s7 =	sshll.u32 s1, $0x1  }
0x7: {  	s4 =	simm.s32 $0x0;
	s8 =	smul.u32 $0x2780, s1;
	s31 =	sshll.u32 s1, $0x6  }
0x8: {  	s7 =	sor.u32 s6, s7;
	[smem:$0x7FF] =	sst s4;
	s10 =	ssub.s32 $0x2, s6  }
0x9: {  	p0 =	seq.s32 s6, $0x1;
	s7 =	smul.u32 $0x510, s7;
	_ =	strace $0x80000047  }
0xa: {  	s9 =	sshrl.u32 s8, $0x3;
	s30 =	sshrl.u32 s10, $0x1;
	s12 =	sadd.s32 s8, s3  }
0xb: {  	s11 =	simm.s32 @!p0 $0x18E00;
	s9 =	sadd.s32 s9, s5;
	s10 =	ssub.s32 s10, s30  }
0xc: {  	s12 =	sshrl.u32 s12, $0x3;
	s7 =	sadd.s32 s7, s5;
	s6 =	sadd.s32 $0xEE00, s9  }
0xd: {  	s8 =	sadd.s32 s11, s9;
	s9 =	simm.s32 $0x2880;
	s11 =	sor.u32 $0x1C03, s31  }
0xe: {  	s5 =	sadd.s32 $0x4C00, s7;
	s7 =	smax.u32 s10, $0x1;
	s10 =	simm.s32 $0x3  }
.LBB2_1:
0xf: {  	[tilespmem:s4], [sflag:$0x1] =	stream.linear.gather [hbm4b:s5+s4], $0x2880, $0x38;
	[tilespmem:$0x5800] =	vst v63  }
0x10: {  	_ = 	snop  }
0x11: {  	[tilespmem:s9], [sflag:$0x3] =	stream.linear.gather [hbm4b:s2+s4], $0x800, $0x38;
	[tilespmem:$0x5800] =	vst v63  }
0x12: {  	_ =	swait.ge [sflag:s10], $0x800  }
0x13: {  	[sflag:s10] =	ssyncset.done $0x0  }
0x14: {  	[sflag:s10] =	ssyncadd.s32 $0xFFFFF800  }
0x15: {  	[spmem:s12], [sflag:s11] =	dma.local [hbm:s6], $0x4F0  }
0x16: {  	_ =	swait.ge [sflag:s10], $0x4F0  }
0x17: {  	[sflag:s10] =	ssyncset.done $0x0  }
0x18: {  	[sflag:s10] =	ssyncadd.s32 $0xFFFFFB10  }
0x19: {  	_ =	swait.ge [sflag:s13], $0x2880  }
0x1a: {  	[sflag:s13] =	ssyncset.done $0x0  }
0x1b: {  	p0 =	por $0x1, $0x1;
	[sflag:s13] =	ssyncadd.s32 $0xFFFFD780  }
0x1c: {  	s19 =	simm.s32 @!p0 $0x2;
	[bflag:$0x0] =	sbarrier.arrive $0xFFFF  }
0x1d: {  	[spmem:s3] =	stream.indirect.scatter.add.f32 [tilespmem:s9], [sflag:$0x2], $0x10, s4, s14, $0xb8;
	[tilespmem:$0x5800] =	vst v63  }
0x1e: {  	_ =	swait.ge @!p0 [sflag:s19], $0x800  }
0x1f: {  	s17 =	simm.s32 $0x1;
	s18 =	simm.s32 $0x0;
	[sflag:s19] =	ssyncset.done @!p0 $0x0  }
.LBB2_2:
0x20: {  	[sflag:s19] =	ssyncadd.s32 @!p0 $0xFFFFF800  }
0x21: {  	s18 =	sadd.s32 $0x80, s18;
	s19 =	smov.u32 s17;
	s17 =	sadd.s32 $0x1, s17  }
0x22: {  	p1 =	sne.s32 s17, $0x51  }
0x23: {  	[spmem:s3] =	stream.indirect.scatter.add.f32 [tilespmem:s9], [sflag:$0x2], $0x10, s18, s14, $0xb8;
	[tilespmem:$0x5800] =	vst v63  }
.Ltmp0:
0x24: {  	_ = 	snop;
	(pc) =	sbr.rel @p1 .LBB2_2-.Ltmp0, $4  }
0x25: {  	p0 =	slt.u32 s19, $0x10  }
0x26: {  	s19 =	simm.s32 @!p0 $0x2  }
0x27: {  	_ =	swait.ge @!p0 [sflag:s19], $0x800  }
0x28: {  	[sflag:s19] =	ssyncset.done @!p0 $0x0  }
0x29: {  	[sflag:s19] =	ssyncadd.s32 @!p0 $0xFFFFF800  }
0x2a: {  	_ =	swait.ge [sflag:s15], $0x800  }
0x2b: {  	[sflag:s15] =	ssyncset.done $0x0  }
0x2c: {  	[sflag:s15] =	ssyncadd.s32 $0xFFFFF800  }
0x2d: {  	_ =	swait.ge [sflag:s15], $0x800  }
0x2e: {  	[sflag:s15] =	ssyncset.done $0x0  }
0x2f: {  	[sflag:s15] =	ssyncadd.s32 $0xFFFFF800  }
0x30: {  	_ =	swait.ge [sflag:s15], $0x800  }
0x31: {  	[sflag:s15] =	ssyncset.done $0x0  }
0x32: {  	[sflag:s15] =	ssyncadd.s32 $0xFFFFF800  }
0x33: {  	_ =	swait.ge [sflag:s15], $0x800  }
0x34: {  	[sflag:s15] =	ssyncset.done $0x0  }
0x35: {  	[sflag:s15] =	ssyncadd.s32 $0xFFFFF800  }
0x36: {  	_ =	swait.ge [sflag:s15], $0x800  }
0x37: {  	[sflag:s15] =	ssyncset.done $0x0  }
0x38: {  	[sflag:s15] =	ssyncadd.s32 $0xFFFFF800  }
0x39: {  	_ =	swait.ge [sflag:s15], $0x800  }
0x3a: {  	[sflag:s15] =	ssyncset.done $0x0  }
0x3b: {  	[sflag:s15] =	ssyncadd.s32 $0xFFFFF800  }
0x3c: {  	_ =	swait.ge [sflag:s15], $0x800  }
0x3d: {  	[sflag:s15] =	ssyncset.done $0x0  }
0x3e: {  	[sflag:s15] =	ssyncadd.s32 $0xFFFFF800  }
0x3f: {  	_ =	swait.ge [sflag:s15], $0x800  }
0x40: {  	[sflag:s15] =	ssyncset.done $0x0  }
0x41: {  	[sflag:s15] =	ssyncadd.s32 $0xFFFFF800  }
0x42: {  	_ =	swait.ge [sflag:s15], $0x800  }
0x43: {  	[sflag:s15] =	ssyncset.done $0x0  }
0x44: {  	[sflag:s15] =	ssyncadd.s32 $0xFFFFF800  }
0x45: {  	_ =	swait.ge [sflag:s15], $0x800  }
0x46: {  	[sflag:s15] =	ssyncset.done $0x0  }
0x47: {  	[sflag:s15] =	ssyncadd.s32 $0xFFFFF800  }
0x48: {  	_ =	swait.ge [sflag:s15], $0x800  }
0x49: {  	[sflag:s15] =	ssyncset.done $0x0  }
0x4a: {  	[sflag:s15] =	ssyncadd.s32 $0xFFFFF800  }
0x4b: {  	_ =	swait.ge [sflag:s15], $0x800  }
0x4c: {  	[sflag:s15] =	ssyncset.done $0x0  }
0x4d: {  	[sflag:s15] =	ssyncadd.s32 $0xFFFFF800  }
0x4e: {  	_ =	swait.ge [sflag:s15], $0x800  }
0x4f: {  	[sflag:s15] =	ssyncset.done $0x0  }
0x50: {  	[sflag:s15] =	ssyncadd.s32 $0xFFFFF800  }
0x51: {  	_ =	swait.ge [sflag:s15], $0x800  }
0x52: {  	[sflag:s15] =	ssyncset.done $0x0  }
0x53: {  	[sflag:s15] =	ssyncadd.s32 $0xFFFFF800  }
0x54: {  	_ =	swait.ge [sflag:s15], $0x800  }
0x55: {  	[sflag:s15] =	ssyncset.done $0x0  }
0x56: {  	[sflag:s15] =	ssyncadd.s32 $0xFFFFF800  }
0x57: {  	_ =	swait.ge [sflag:s15], $0x800  }
0x58: {  	s16 =	sadd.s32 $0x1, s16;
	[sflag:s15] =	ssyncset.done $0x0  }
0x59: {  	p0 =	sne.s32 s16, s7;
	[sflag:s15] =	ssyncadd.s32 $0xFFFFF800  }
.Ltmp1:
0x5a: {  	[bflag:$0x0] =	sbarrier.arrive $0xFFFF;
	(pc) =	sbr.rel @p0 .LBB2_1-.Ltmp1, $4  }
0x5b: {  	[hbm:s8], [sflag:s11] =	dma.local [spmem:s12], $0x4F0  }
0x5c: {  	_ =	swait.ge [sflag:s10], $0x4F0  }
0x5d: {  	[sflag:s10] =	ssyncset.done $0x0  }
0x5e: {  	[sflag:s10] =	ssyncadd.s32 $0xFFFFFB10  }
0x5f: {  	_ =	sfence.sel $0x180000  }
0x60: {  	[bflag:$0x0] =	sbarrier.arrive $0xFFFF  }
0x61: {  	p0 =	sne.s32 s1, $0x0;
	_ =	strace $0x90000047  }
0x62: {  	s0 =	sadd.s32 @!p0 $0x100000, s0;
	[bflag:$0x2] =	sbarrier.arrive $0xFFFF  }
0x63: {  	[sflag:s0] =	ssyncadd.tile.s32 @!p0 $0x1;
	_ =	shalt  }
.Lfunc_end2:
_tile_overlayer_lowered:
.L_overlay_start_2:
0x64: {  	(tag) =	ssettag $0x2  }
0x65: {  	s0 =	rddreg [dreg:$0x0];
	s2 =	stileid.u32  }
0x66: {  	s1 =	rddreg [dreg:$0x1];
	p0 =	sne.s32 s2, $0x0  }
0x67: {  	s3 =	rddreg [dreg:$0x2];
	[bflag:$0x3] =	sbarrier.arrive $0xFFFF;
	s2 =	simm.s32 @!p0 $0x1C03  }
0x68: {  	[timem:s3], [sflag:s2] =	dma.local @!p0 [hbm:s0], s1  }
0x69: {  	s0 =	simm.s32 @!p0 $0x3  }
0x6a: {  	_ =	swait.ge @!p0 [sflag:s0], s1  }
0x6b: {  	s1 =	ssub.s32 @!p0 $0x0, s1;
	[sflag:s0] =	ssyncset.done @!p0 $0x0  }
0x6c: {  	[sflag:s0] =	ssyncadd.s32 @!p0 s1  }
0x6d: {  	[bflag:$0x3] =	sbarrier.arrive $0xFFFF  }
0x6e: {  	_ =	shalt  }

// kernel: kernel.14.cloned.1.call-start
scs
__scs_entry_jumppad:
0x0: {  	(pc) =	sbr.rel $0x88, $3  }
0x1: {  	(tag) =	ssettag $0x0;
	lr =	simm.s32 $0x1  }
0x2: {  	[smem:$0x3F95] =	sst lr;
	_ =	strace $0xD0000000  }
0x3: {  	_ = 	snop  }
0x4: {  	_ = 	snop  }
0x5: {  	_ = 	snop  }
0x6: {  	_ = 	snop  }
0x7: {  	_ = 	snop  }
__scs_overlays_trampoline_lowered:
0x8: {  	[smem:$0x3FA4] =	sst s0  }
0x9: {  	[smem:$0x3FA5] =	sst s1  }
0xa: {  	[smem:$0x3FA6] =	sst s2  }
0xb: {  	[smem:$0x3FA7] =	sst s3  }
0xc: {  	[smem:$0x3FA8] =	sst s4  }
0xd: {  	[smem:$0x3FA9] =	sst s5  }
0xe: {  	[smem:$0x3FAA] =	sst s6  }
0xf: {  	[smem:$0x3FAB] =	sst s7  }
0x10: {  	[smem:$0x3FAC] =	sst s8  }
0x11: {  	[smem:$0x3FAD] =	sst s9;
	s0 =	simm.s32 @!p0 $0x0  }
0x12: {  	s1 =	sld [smem:$0x3F93];
	s0 =	simm.s32 @p0 $0x1  }
0x13: {  	[smem:$0x3FAE] =	sst s0;
	s0 =	simm.s32 @!p1 $0x0  }
0x14: {  	s2 =	sld [smem:$0x3F92];
	s0 =	simm.s32 @p1 $0x1  }
0x15: {  	[smem:$0x3FAF] =	sst s0;
	s0 =	simm.s32 @!p2 $0x0  }
0x16: {  	s3 =	sld [smem:$0x3FDB];
	s0 =	simm.s32 @p2 $0x1  }
0x17: {  	s4 =	simm.s32 $0x1BF5;
	[smem:$0x3FB1] =	sst s0  }
0x18: {  	s0 =	sld [smem:$0x3F94];
	_ =	swait.ge [sflag:s4], $0x0  }
0x19: {  	s7 =	sld [smem:$0x3F95]  }
0x1a: {  	s8 =	sadd.s32 $0xFFFFE003, lr  }
0x1b: {  	s9 =	sadd.s32 $0xFFFFFEF7, lr;
	s5 =	simm.s32 $0xFFFFFFFF;
	p2 =	slt.u32 s8, $0xFFFFF086  }
0x1c: {  	p1 =	slt.u32 s9, $0xF7A;
	s5 =	simm.s32 @!p2 $0x0  }
0x1d: {  	s5 =	simm.s32 @p1 $0x1;
	p0 =	seq.s32 s7, s2  }
0x1e: {  	s7 =	smul.u32 @!p0 $0xF7A, s2;
	p2 =	seq.s32 @!p0 s5, $0x0  }
0x1f: {  	s9 =	smul.u32 $0xF7A, s1;
	s8 =	simm.s32 @!p0 $0x1BF5;
	p2 =	por !p2, p0  }
0x20: {  	[sflag:s8] =	ssyncset.s32 @!p0 $0xFFFFF086;
	s6 =	sadd.s32 @!p0 s3, s7;
	s7 =	simm.s32 @!p0 $0x108  }
0x21: {  	s3 =	sadd.s32 s3, s9;
	s6 =	sadd.s32 @!p0 $0x88, s6;
	s7 =	simm.s32 @p2 $0x1082  }
0x22: {  	[simem:s7], [sflag:s8] =	dma.local @!p0 [hbm:s6], $0xF7A  }
0x23: {  	s9 =	sor.u32 $0xD0000000, s2;
	s6 =	simm.s32 $0x108;
	_ =	swait.ge @!p0 [sflag:s8], $0x0  }
0x24: {  	s3 =	sadd.s32 $0x88, s3;
	s6 =	simm.s32 @!p1 $0x1082;
	[sflag:s4] =	ssyncset.s32 $0xFFFFF086  }
0x25: {  	[simem:s6], [sflag:s4] =	dma.local [hbm:s3], $0xF7A  }
0x26: {  	[smem:$0x3F95] =	sst s1;
	(tag) =	ssettag s2;
	_ =	strace s9  }
0x27: {  	s1 =	sld [smem:$0x3FA5]  }
0x28: {  	s2 =	sld [smem:$0x3FA6]  }
0x29: {  	s4 =	sld [smem:$0x3FA8]  }
0x2a: {  	p0 =	seq.s32 s5, $0x0;
	s5 =	sld [smem:$0x3FA9]  }
0x2b: {  	s6 =	sld [smem:$0x3FAA]  }
0x2c: {  	s7 =	sld [smem:$0x3FAB]  }
0x2d: {  	s3 =	simm.s32 $0x108;
	s8 =	sld [smem:$0x3FAC]  }
0x2e: {  	s3 =	simm.s32 @!p0 $0x1082;
	s9 =	sld [smem:$0x3FAD]  }
0x2f: {  	lr =	sadd.s32 s0, s3;
	s0 =	sld [smem:$0x3FA4]  }
0x30: {  	s3 =	sld [smem:$0x3FA7]  }
0x31: {  	[smem:$0x3FB0] =	sst s10  }
0x32: {  	s10 =	sld [smem:$0x3FAE];
	_ =	sdelay $0x3  }
0x33: {  	p0 =	seq.s32 s10, $0x1;
	s10 =	sld [smem:$0x3FB0];
	_ =	sdelay $0x3  }
0x34: {  	[smem:$0x3FB0] =	sst s10  }
0x35: {  	s10 =	sld [smem:$0x3FAF];
	_ =	sdelay $0x3  }
0x36: {  	p1 =	seq.s32 s10, $0x1;
	s10 =	sld [smem:$0x3FB0];
	_ =	sdelay $0x3  }
0x37: {  	[smem:$0x3FB0] =	sst s10  }
0x38: {  	s10 =	sld [smem:$0x3FB1]  }
0x39: {  	_ = 	snop;
	(pc) =	sbr.ind lr, $3  }
0x3a: {  	_ = 	snop  }
0x3b: {  	_ = 	snop  }
0x3c: {  	p2 =	seq.s32 s10, $0x1;
	s10 =	sld [smem:$0x3FB0]  }
0x3d: {  	_ =	shalt  }
0x3e: {  	_ =	shalt  }
0x3f: {  	_ =	shalt  }
0x40: {  	_ =	shalt  }
0x41: {  	_ =	shalt  }
0x42: {  	_ =	shalt  }
0x43: {  	_ =	shalt  }
0x44: {  	_ =	shalt  }
0x45: {  	_ =	shalt  }
0x46: {  	_ =	shalt  }
0x47: {  	_ =	shalt  }
0x48: {  	_ =	shalt  }
0x49: {  	_ =	shalt  }
0x4a: {  	_ =	shalt  }
0x4b: {  	_ =	shalt  }
0x4c: {  	_ =	shalt  }
0x4d: {  	_ =	shalt  }
0x4e: {  	_ =	shalt  }
0x4f: {  	_ =	shalt  }
0x50: {  	_ =	shalt  }
0x51: {  	_ =	shalt  }
0x52: {  	_ =	shalt  }
0x53: {  	_ =	shalt  }
0x54: {  	_ =	shalt  }
0x55: {  	_ =	shalt  }
0x56: {  	_ =	shalt  }
0x57: {  	_ =	shalt  }
0x58: {  	_ =	shalt  }
0x59: {  	_ =	shalt  }
0x5a: {  	_ =	shalt  }
0x5b: {  	_ =	shalt  }
0x5c: {  	_ =	shalt  }
0x5d: {  	_ =	shalt  }
0x5e: {  	_ =	shalt  }
0x5f: {  	_ =	shalt  }
0x60: {  	_ =	shalt  }
0x61: {  	_ =	shalt  }
0x62: {  	_ =	shalt  }
0x63: {  	_ =	shalt  }
0x64: {  	_ =	shalt  }
0x65: {  	_ =	shalt  }
0x66: {  	_ =	shalt  }
0x67: {  	_ =	shalt  }
0x68: {  	_ =	shalt  }
0x69: {  	_ =	shalt  }
0x6a: {  	_ =	shalt  }
0x6b: {  	_ =	shalt  }
0x6c: {  	_ =	shalt  }
0x6d: {  	_ =	shalt  }
0x6e: {  	_ =	shalt  }
0x6f: {  	_ =	shalt  }
0x70: {  	_ =	shalt  }
0x71: {  	_ =	shalt  }
0x72: {  	_ =	shalt  }
0x73: {  	_ =	shalt  }
0x74: {  	_ =	shalt  }
0x75: {  	_ =	shalt  }
0x76: {  	_ =	shalt  }
0x77: {  	_ =	shalt  }
0x78: {  	_ =	shalt  }
0x79: {  	_ =	shalt  }
0x7a: {  	_ =	shalt  }
0x7b: {  	_ =	shalt  }
0x7c: {  	_ =	shalt  }
0x7d: {  	_ =	shalt  }
0x7e: {  	_ =	shalt  }
0x7f: {  	_ =	shalt  }
0x80: {  	_ =	shalt  }
0x81: {  	_ =	shalt  }
0x82: {  	_ =	shalt  }
0x83: {  	_ =	shalt  }
0x84: {  	_ =	shalt  }
0x85: {  	_ =	shalt  }
0x86: {  	_ =	shalt  }
0x87: {  	_ =	shalt  }
.Lfunc_end0:
.L_simem_size_0:
called_computation.1_lowered:
.L_overlay_start_0:
0x88: {  	s2 =	sld [smem:$0x3FD9]  }
0x89: {  	s3 =	sld [smem:$0x3FFE];
	_ =	sdelay $0x1  }
0x8a: {  	s1 =	srdreg.scid  }
0x8b: {  	s0 =	sand.u32 $0x1, s1  }
0x8c: {  	s16 =	sshll.u32 s0, $0xA;
	s2 =	sadd.s32 s3, s2  }
0x8d: {  	s2 =	sadd.s32 s2, s16  }
0x8e: {  	[smem:$0x3FBC] =	sst s2  }
0x8f: {  	_ = 	snop  }
0x90: {  	(tm) =	ssettm $0x1  }
0x91: {  	s17 =	sld [smem:$0x3FFB];
	_ =	sdelay $0x3  }
0x92: {  	_ =	strace s17  }
0x93: {  	s2 =	sld [smem:$0x3FFC];
	_ =	sdelay $0x3  }
0x94: {  	_ =	strace s2  }
0x95: {  	s2 =	sld [smem:$0x3FFD];
	_ =	sdelay $0x3  }
0x96: {  	_ =	strace s2  }
0x97: {  	_ =	strace $0x8FFFFFFF  }
0x98: {  	s18 =	sld [smem:$0x3FDB];
	_ =	sdelay $0x1  }
0x99: {  	s19 =	simm.s32 $_scs_section_size  }
0x9a: {  	s4 =	simm.s32 $_size__tile_overlayer_lowered;
	s5 =	simm.s32 $_tile_overlayer_lowered  }
0x9b: {  	s22 =	simm.s32 $0x1BFF;
	s21 =	sshll.u32 s5, $0x1;
	s2 =	sadd.s32 s19, s18  }
0x9c: {  	s6 =	simm.s32 $0x0;
	s20 =	sshll.u32 s4, $0x1;
	s4 =	sadd.s32 s21, s2  }
0x9d: {  	[timem:s6], [sflag:s22] =	dma.local [hbm:s4], s20  }
0x9e: {  	_ =	swait.ge [sflag:s22], s20  }
0x9f: {  	s3 =	ssub.s32 $0x0, s20;
	[sflag:s22] =	ssyncset.done $0x0  }
0xa0: {  	[sflag:s22] =	ssyncadd.s32 s3;
	_ =	sdelay $0x1  }
0xa1: {  	s23 =	simm.s32 $0x1B8B  }
0xa2: {  	_ =	swait.ge [sflag:s23], $0x1  }
0xa3: {  	[sflag:s23] =	ssyncset.done $0x0  }
0xa4: {  	s25 =	simm.s32 $0x1B8E;
	s24 =	sld [smem:$0x3FFE];
	[sflag:s23] =	ssyncadd.s32 $0xFFFFFFFF  }
0xa5: {  	s26 =	simm.s32 $execute0_lowered;
	[smem:$0x3FD2] =	sst s25  }
0xa6: {  	s4 =	sshll.u32 s26, $0x1;
	_ =	strace $0x80000049;
	[dreg:$0x1] =	wrdreg $0xFFFFFFFF  }
0xa7: {  	s28 =	simm.s32 $_size_execute0_lowered;
	s2 =	sadd.s32 s2, s4;
	[dreg:$0x0] =	wrdreg $0x0  }
0xa8: {  	s4 =	sshll.u32 s28, $0x1;
	[dreg:$0x2] =	wrdreg s2  }
0xa9: {  	[dreg:$0x3] =	wrdreg s4  }
0xaa: {  	[dreg:$0x4] =	wrdreg $0xC0  }
0xab: {  	_ =	task [dreg:s6], $0x5FFFF  }
0xac: {  	[dreg:$0x1] =	wrdreg $0xFFFFFFFF  }
0xad: {  	[dreg:$0x0] =	wrdreg $0x60  }
0xae: {  	[dreg:$0x2] =	wrdreg s24  }
0xaf: {  	[dreg:$0x3] =	wrdreg $0x14F000  }
0xb0: {  	[dreg:$0x4] =	wrdreg $0xB1000  }
0xb1: {  	[dreg:$0x5] =	wrdreg $0x9  }
0xb2: {  	_ =	task.clear_ibuf [dreg:s6], $0x6FFFF;
	_ =	strace $0x90000049  }
0xb3: {  	s29 =	simm.s32 $0x9;
	_ =	strace $0x8000004B  }
0xb4: {  	_ =	swait.ge [sflag:s29], $0x1  }
0xb5: {  	[sflag:s29] =	ssyncadd.s32 $0xFFFFFFFF  }
0xb6: {  	_ =	strace $0x9000004B  }
0xb7: {  	_ =	sfence  }
0xb8: {  	s30 =	sld [smem:$0x0];
	_ =	sdelay $0x2  }
0xb9: {  	s31 =	sshll.u32 s1, $0xD;
	s1 =	sshrl.u32 s1, $0x2  }
0xba: {  	s3 =	sand.u32 $0x4000, s31;
	s1 =	sadd.s32 s1, s30  }
0xbb: {  	s0 =	sor.u32 s3, s0;
	s1 =	sshll.u32 s1, $0x11  }
0xbc: {  	s0 =	sor.u32 s1, s0  }
0xbd: {  	s0 =	sadd.s32 $0x8F2B, s0  }
0xbe: {  	[sflag:s0] =	ssyncadd.remote.s32 $0x1  }
0xbf: {  	_ =	sfence.sel $0xFFFF  }
0xc0: {  	[dreg:$0x0] =	wrdreg $0xFFFFFFFF;
	(pc) =	sbr.abs _section_cstart, $3  }
0xc1: {  	[dreg:$0x1] =	wrdreg $0xFFFFFFFF  }
0xc2: {  	_ =	task.clear_ibuf [dreg:s6], $0x2FFFF;
	_ =	strace $0x9FFFFFFF  }
0xc3: {  	(tm) =	ssettm $0x7FFFFFFF  }
tec
execute0_lowered:
.L_overlay_start_1:
0x0: {  	(tag) =	ssettag $0x1  }
0x1: {  	s0 =	rddreg [dreg:$0x0]  }
0x2: {  	s2 =	rddreg [dreg:$0x1]  }
0x3: {  	s3 =	rddreg [dreg:$0x2]  }
0x4: {  	s1 =	srdreg.scid;
	s12 =	stileid.u32;
	s4 =	simm.s32 $0x0  }
0x5: {  	s14 =	simm.s32 $0x8;
	s16 =	simm.s32 $0x7;
	s17 =	simm.s32 $0x80  }
0x6: {  	s18 =	simm.s32 $0x5100;
	s19 =	simm.s32 $0x1;
	s20 =	simm.s32 $0x7100  }
0x7: {  	s21 =	simm.s32 $0x2;
	s24 =	simm.s32 $0x9100;
	s25 =	simm.s32 $0x3  }
0x8: {  	s28 =	simm.s32 $0x4;
	s29 =	simm.s32 $0x180;
	s30 =	simm.s32 $0x5  }
0x9: {  	s31 =	simm.s32 $0x6;
	s1 =	sand.u32 $0x1, s1;
	s5 =	sshll.u32 s12, $0x1  }
0xa: {  	s9 =	smul.u32 $0x9E00, s12;
	[smem:$0x7FF] =	sst s4;
	s26 =	sshll.u32 s12, $0x6  }
0xb: {  	s12 =	simm.s32 $0x2880;
	s5 =	sor.u32 s1, s5;
	s6 =	ssub.s32 $0x2, s1  }
0xc: {  	_ =	strace $0x8000004A;
	p0 =	seq.s32 s1, $0x1;
	s1 =	simm.s32 $0x9E800  }
0xd: {  	s5 =	smul.u32 $0x510, s5;
	s7 =	sshrl.u32 s9, $0x3;
	s8 =	sshrl.u32 s6, $0x1  }
0xe: {  	s13 =	sadd.s32 s9, s2;
	s15 =	sadd.s32 s9, s3;
	s1 =	simm.s32 @!p0 $0xB2400  }
.Ltmp0:
0xf: {  	s11 =	ssub.s32 s6, s8;
	s8 =	sor.u32 $0x1C08, s26;
	(pc) =	sbr.rel .LBB2_1-.Ltmp0, $4  }
0x10: {  	s13 =	sshrl.u32 s13, $0x3;
	s15 =	sshrl.u32 s15, $0x3;
	s10 =	sadd.s32 s5, s0  }
0x11: {  	s26 =	simm.s32 $0x2980;
	s0 =	sadd.s32 s7, s0;
	s5 =	sadd.s32 $0x45600, s10  }
0x12: {  	s6 =	sadd.s32 $0x4C00, s10;
	s7 =	sadd.s32 $0x4F800, s0;
	s9 =	sadd.s32 $0x8AC00, s0  }
0x13: {  	s10 =	smax.u32 s11, $0x1;
	s11 =	sadd.s32 s1, s0;
	s0 =	simm.s32 $0x0  }
.LBB2_4:
0x14: {  	_ =	swait.ge [sflag:s31], $0x2000  }
0x15: {  	[sflag:s31] =	ssyncset.done $0x0  }
0x16: {  	[sflag:s31] =	ssyncadd.s32 $0xFFFFE000  }
0x17: {  	_ =	swait.ge [sflag:s30], $0x2000  }
0x18: {  	s0 =	sadd.s32 $0x1, s0;
	[sflag:s30] =	ssyncset.done $0x0  }
0x19: {  	p0 =	sne.s32 s0, s10;
	[sflag:s30] =	ssyncadd.s32 $0xFFFFE000  }
.Ltmp1:
0x1a: {  	[bflag:$0x0] =	sbarrier.arrive $0xFFFF;
	(pc) =	sbr.rel @!p0 .LBB2_5-.Ltmp1, $4  }
0x1b: {  	[hbm:s11], [sflag:s8] =	dma.local [spmem:s15], $0x13C0  }
0x1c: {  	_ =	swait.ge [sflag:s14], $0x13C0  }
0x1d: {  	[sflag:s14] =	ssyncset.done $0x0  }
0x1e: {  	[sflag:s14] =	ssyncadd.s32 $0xFFFFEC40  }
.LBB2_1:
0x1f: {  	[tilespmem:s4], [sflag:$0x7] =	stream.linear.gather [hbm4b:s5+s4], $0x2880, $0x38;
	[tilespmem:$0x1ED00] =	vst v63  }
0x20: {  	_ = 	snop  }
0x21: {  	[tilespmem:s12], [sflag:$0x7] =	stream.linear.gather [hbm4b:s6+s4], $0x2880, $0x38;
	[tilespmem:$0x1ED00] =	vst v63  }
0x22: {  	[spmem:s13], [sflag:s8] =	dma.local [hbm:s7], $0x13C0  }
0x23: {  	_ =	swait.ge [sflag:s14], $0x13C0  }
0x24: {  	[sflag:s14] =	ssyncset.done $0x0  }
0x25: {  	[sflag:s14] =	ssyncadd.s32 $0xFFFFEC40  }
0x26: {  	[spmem:s15], [sflag:s8] =	dma.local [hbm:s9], $0x13C0  }
0x27: {  	_ =	swait.ge [sflag:s14], $0x13C0  }
0x28: {  	[sflag:s14] =	ssyncset.done $0x0  }
0x29: {  	[sflag:s14] =	ssyncadd.s32 $0xFFFFEC40  }
0x2a: {  	_ =	swait.ge [sflag:s16], $0x2880  }
0x2b: {  	[sflag:s16] =	ssyncset.done $0x0  }
0x2c: {  	[sflag:s16] =	ssyncadd.s32 $0xFFFFD780  }
0x2d: {  	_ =	swait.ge [sflag:s16], $0x2880  }
0x2e: {  	[sflag:s16] =	ssyncset.done $0x0  }
0x2f: {  	[sflag:s16] =	ssyncadd.s32 $0xFFFFD780  }
0x30: {  	[bflag:$0x0] =	sbarrier.arrive $0xFFFF  }
0x31: {  	[tilespmem:s18], [sflag:$0x1] =	stream.indirect.gather [spmem:s2], $0x40, s4, s17, $0xb8;
	[tilespmem:$0x1ED00] =	vst v63  }
0x32: {  	_ =	swait.ge [sflag:s19], $0x2000  }
0x33: {  	[sflag:s19] =	ssyncset.done $0x0  }
0x34: {  	[sflag:s19] =	ssyncadd.s32 $0xFFFFE000  }
0x35: {  	[spmem:s3] =	stream.indirect.scatter.add.f32 [tilespmem:s18], [sflag:$0x4], $0x40, s12, s17, $0xb8;
	[tilespmem:$0x1ED00] =	vst v63  }
0x36: {  	_ = 	snop  }
0x37: {  	[tilespmem:s20], [sflag:$0x2] =	stream.indirect.gather [spmem:s2], $0x40, s17, s17, $0xb8;
	[tilespmem:$0x1ED00] =	vst v63  }
0x38: {  	_ =	swait.ge [sflag:s21], $0x2000  }
0x39: {  	[sflag:s21] =	ssyncset.done $0x0  }
0x3a: {  	s1 =	simm.s32 $0x2900;
	[sflag:s21] =	ssyncadd.s32 $0xFFFFE000  }
0x3b: {  	[spmem:s3] =	stream.indirect.scatter.add.f32 [tilespmem:s20], [sflag:$0x5], $0x40, s1, s17, $0xb8;
	[tilespmem:$0x1ED00] =	vst v63  }
0x3c: {  	s23 =	simm.s32 $0x100  }
0x3d: {  	[tilespmem:s24], [sflag:$0x3] =	stream.indirect.gather [spmem:s2], $0x40, s23, s17, $0xb8;
	[tilespmem:$0x1ED00] =	vst v63  }
0x3e: {  	_ =	swait.ge [sflag:s25], $0x2000  }
0x3f: {  	[sflag:s25] =	ssyncset.done $0x0  }
0x40: {  	[sflag:s25] =	ssyncadd.s32 $0xFFFFE000  }
0x41: {  	[spmem:s3] =	stream.indirect.scatter.add.f32 [tilespmem:s24], [sflag:$0x6], $0x40, s26, s17, $0xb8;
	[tilespmem:$0x1ED00] =	vst v63  }
0x42: {  	_ =	swait.ge [sflag:s28], $0x2000  }
0x43: {  	[sflag:s28] =	ssyncset.done $0x0  }
0x44: {  	s1 =	simm.s32 $0x0;
	[sflag:s28] =	ssyncadd.s32 $0xFFFFE000  }
0x45: {  	[tilespmem:s18], [sflag:$0x1] =	stream.indirect.gather [spmem:s2], $0x40, s29, s17, $0xb8;
	[tilespmem:$0x1ED00] =	vst v63  }
.LBB2_2:
0x46: {  	_ =	swait.ge [sflag:s19], $0x2000  }
0x47: {  	s22 =	sshra.s32 s1, $0x2;
	[sflag:s19] =	ssyncset.done $0x0  }
0x48: {  	s23 =	sadd.s32 $0x2A00, s22;
	[sflag:s19] =	ssyncadd.s32 $0xFFFFE000  }
0x49: {  	[spmem:s3] =	stream.indirect.scatter.add.f32 [tilespmem:s18], [sflag:$0x4], $0x40, s23, s17, $0xb8;
	[tilespmem:$0x1ED00] =	vst v63  }
0x4a: {  	_ =	swait.ge [sflag:s30], $0x2000  }
0x4b: {  	[sflag:s30] =	ssyncset.done $0x0  }
0x4c: {  	s23 =	sadd.s32 $0x200, s22;
	[sflag:s30] =	ssyncadd.s32 $0xFFFFE000  }
0x4d: {  	[tilespmem:s20], [sflag:$0x2] =	stream.indirect.gather [spmem:s2], $0x40, s23, s17, $0xb8;
	[tilespmem:$0x1ED00] =	vst v63  }
0x4e: {  	_ =	swait.ge [sflag:s21], $0x2000  }
0x4f: {  	[sflag:s21] =	ssyncset.done $0x0  }
0x50: {  	s23 =	sadd.s32 $0x2A80, s22;
	[sflag:s21] =	ssyncadd.s32 $0xFFFFE000  }
0x51: {  	[spmem:s3] =	stream.indirect.scatter.add.f32 [tilespmem:s20], [sflag:$0x5], $0x40, s23, s17, $0xb8;
	[tilespmem:$0x1ED00] =	vst v63  }
0x52: {  	_ =	swait.ge [sflag:s31], $0x2000  }
0x53: {  	[sflag:s31] =	ssyncset.done $0x0  }
0x54: {  	s23 =	sadd.s32 $0x280, s22;
	[sflag:s31] =	ssyncadd.s32 $0xFFFFE000  }
0x55: {  	[tilespmem:s24], [sflag:$0x3] =	stream.indirect.gather [spmem:s2], $0x40, s23, s17, $0xb8;
	[tilespmem:$0x1ED00] =	vst v63  }
0x56: {  	_ =	swait.ge [sflag:s25], $0x2000  }
0x57: {  	p0 =	seq.s32 s1, $0x9600;
	[sflag:s25] =	ssyncset.done $0x0  }
.Ltmp2:
0x58: {  	s23 =	sadd.s32 $0x2B00, s22;
	[sflag:s25] =	ssyncadd.s32 $0xFFFFE000;
	(pc) =	sbr.rel @p0 .LBB2_4-.Ltmp2, $4  }
0x59: {  	[spmem:s3] =	stream.indirect.scatter.add.f32 [tilespmem:s24], [sflag:$0x6], $0x40, s23, s17, $0xb8;
	[tilespmem:$0x1ED00] =	vst v63  }
0x5a: {  	_ =	swait.ge [sflag:s28], $0x2000  }
0x5b: {  	[sflag:s28] =	ssyncset.done $0x0  }
0x5c: {  	[sflag:s28] =	ssyncadd.s32 $0xFFFFE000  }
.Ltmp3:
0x5d: {  	(pc) =	sbr.rel .LBB2_2-.Ltmp3, $3  }
0x5e: {  	_ =	sdelay $0x1  }
0x5f: {  	s22 =	sadd.s32 $0x300, s22;
	s1 =	sadd.s32 $0x600, s1  }
0x60: {  	[tilespmem:s18], [sflag:$0x1] =	stream.indirect.gather [spmem:s2], $0x40, s22, s17, $0xb8;
	[tilespmem:$0x1ED00] =	vst v63  }
.LBB2_5:
0x61: {  	_ =	sfence.sel $0x180000  }
0x62: {  	[bflag:$0x0] =	sbarrier.arrive $0xFFFF  }
0x63: {  	_ =	strace $0x9000004A  }
0x64: {  	s0 =	stileid.u32;
	[bflag:$0x2] =	sbarrier.arrive $0xFFFF  }
0x65: {  	p0 =	sne.s32 s0, $0x0;
	s0 =	rddreg [dreg:$0x3]  }
0x66: {  	s0 =	sadd.s32 @!p0 $0x100000, s0  }
0x67: {  	[sflag:s0] =	ssyncadd.tile.s32 @!p0 $0x1;
	_ =	shalt  }
.Lfunc_end2:
_tile_overlayer_lowered:
.L_overlay_start_2:
0x68: {  	(tag) =	ssettag $0x2  }
0x69: {  	s0 =	rddreg [dreg:$0x0];
	s2 =	stileid.u32  }
0x6a: {  	s1 =	rddreg [dreg:$0x1];
	p0 =	sne.s32 s2, $0x0  }
0x6b: {  	s3 =	rddreg [dreg:$0x2];
	[bflag:$0x3] =	sbarrier.arrive $0xFFFF;
	s2 =	simm.s32 @!p0 $0x1C08  }
0x6c: {  	[timem:s3], [sflag:s2] =	dma.local @!p0 [hbm:s0], s1  }
0x6d: {  	s0 =	simm.s32 @!p0 $0x8  }
0x6e: {  	_ =	swait.ge @!p0 [sflag:s0], s1  }
0x6f: {  	s1 =	ssub.s32 @!p0 $0x0, s1;
	[sflag:s0] =	ssyncset.done @!p0 $0x0  }
0x70: {  	[sflag:s0] =	ssyncadd.s32 @!p0 s1  }
0x71: {  	[bflag:$0x3] =	sbarrier.arrive $0xFFFF  }
0x72: {  	_ =	shalt  }

// kernel: kernel.17.cloned.1.call-start
scs
__scs_entry_jumppad:
0x0: {  	(pc) =	sbr.rel $0x88, $3  }
0x1: {  	(tag) =	ssettag $0x0;
	lr =	simm.s32 $0x1  }
0x2: {  	[smem:$0x3F95] =	sst lr;
	_ =	strace $0xD0000000  }
0x3: {  	_ = 	snop  }
0x4: {  	_ = 	snop  }
0x5: {  	_ = 	snop  }
0x6: {  	_ = 	snop  }
0x7: {  	_ = 	snop  }
__scs_overlays_trampoline_lowered:
0x8: {  	[smem:$0x3FA4] =	sst s0  }
0x9: {  	[smem:$0x3FA5] =	sst s1  }
0xa: {  	[smem:$0x3FA6] =	sst s2  }
0xb: {  	[smem:$0x3FA7] =	sst s3  }
0xc: {  	[smem:$0x3FA8] =	sst s4  }
0xd: {  	[smem:$0x3FA9] =	sst s5  }
0xe: {  	[smem:$0x3FAA] =	sst s6  }
0xf: {  	[smem:$0x3FAB] =	sst s7  }
0x10: {  	[smem:$0x3FAC] =	sst s8  }
0x11: {  	[smem:$0x3FAD] =	sst s9;
	s0 =	simm.s32 @!p0 $0x0  }
0x12: {  	s1 =	sld [smem:$0x3F93];
	s0 =	simm.s32 @p0 $0x1  }
0x13: {  	[smem:$0x3FAE] =	sst s0;
	s0 =	simm.s32 @!p1 $0x0  }
0x14: {  	s2 =	sld [smem:$0x3F92];
	s0 =	simm.s32 @p1 $0x1  }
0x15: {  	[smem:$0x3FAF] =	sst s0;
	s0 =	simm.s32 @!p2 $0x0  }
0x16: {  	s3 =	sld [smem:$0x3FDB];
	s0 =	simm.s32 @p2 $0x1  }
0x17: {  	s4 =	simm.s32 $0x1BF5;
	[smem:$0x3FB1] =	sst s0  }
0x18: {  	s0 =	sld [smem:$0x3F94];
	_ =	swait.ge [sflag:s4], $0x0  }
0x19: {  	s7 =	sld [smem:$0x3F95]  }
0x1a: {  	s8 =	sadd.s32 $0xFFFFE003, lr  }
0x1b: {  	s9 =	sadd.s32 $0xFFFFFEF7, lr;
	s5 =	simm.s32 $0xFFFFFFFF;
	p2 =	slt.u32 s8, $0xFFFFF086  }
0x1c: {  	p1 =	slt.u32 s9, $0xF7A;
	s5 =	simm.s32 @!p2 $0x0  }
0x1d: {  	s5 =	simm.s32 @p1 $0x1;
	p0 =	seq.s32 s7, s2  }
0x1e: {  	s7 =	smul.u32 @!p0 $0xF7A, s2;
	p2 =	seq.s32 @!p0 s5, $0x0  }
0x1f: {  	s9 =	smul.u32 $0xF7A, s1;
	s8 =	simm.s32 @!p0 $0x1BF5;
	p2 =	por !p2, p0  }
0x20: {  	[sflag:s8] =	ssyncset.s32 @!p0 $0xFFFFF086;
	s6 =	sadd.s32 @!p0 s3, s7;
	s7 =	simm.s32 @!p0 $0x108  }
0x21: {  	s3 =	sadd.s32 s3, s9;
	s6 =	sadd.s32 @!p0 $0x88, s6;
	s7 =	simm.s32 @p2 $0x1082  }
0x22: {  	[simem:s7], [sflag:s8] =	dma.local @!p0 [hbm:s6], $0xF7A  }
0x23: {  	s9 =	sor.u32 $0xD0000000, s2;
	s6 =	simm.s32 $0x108;
	_ =	swait.ge @!p0 [sflag:s8], $0x0  }
0x24: {  	s3 =	sadd.s32 $0x88, s3;
	s6 =	simm.s32 @!p1 $0x1082;
	[sflag:s4] =	ssyncset.s32 $0xFFFFF086  }
0x25: {  	[simem:s6], [sflag:s4] =	dma.local [hbm:s3], $0xF7A  }
0x26: {  	[smem:$0x3F95] =	sst s1;
	(tag) =	ssettag s2;
	_ =	strace s9  }
0x27: {  	s1 =	sld [smem:$0x3FA5]  }
0x28: {  	s2 =	sld [smem:$0x3FA6]  }
0x29: {  	s4 =	sld [smem:$0x3FA8]  }
0x2a: {  	p0 =	seq.s32 s5, $0x0;
	s5 =	sld [smem:$0x3FA9]  }
0x2b: {  	s6 =	sld [smem:$0x3FAA]  }
0x2c: {  	s7 =	sld [smem:$0x3FAB]  }
0x2d: {  	s3 =	simm.s32 $0x108;
	s8 =	sld [smem:$0x3FAC]  }
0x2e: {  	s3 =	simm.s32 @!p0 $0x1082;
	s9 =	sld [smem:$0x3FAD]  }
0x2f: {  	lr =	sadd.s32 s0, s3;
	s0 =	sld [smem:$0x3FA4]  }
0x30: {  	s3 =	sld [smem:$0x3FA7]  }
0x31: {  	[smem:$0x3FB0] =	sst s10  }
0x32: {  	s10 =	sld [smem:$0x3FAE];
	_ =	sdelay $0x3  }
0x33: {  	p0 =	seq.s32 s10, $0x1;
	s10 =	sld [smem:$0x3FB0];
	_ =	sdelay $0x3  }
0x34: {  	[smem:$0x3FB0] =	sst s10  }
0x35: {  	s10 =	sld [smem:$0x3FAF];
	_ =	sdelay $0x3  }
0x36: {  	p1 =	seq.s32 s10, $0x1;
	s10 =	sld [smem:$0x3FB0];
	_ =	sdelay $0x3  }
0x37: {  	[smem:$0x3FB0] =	sst s10  }
0x38: {  	s10 =	sld [smem:$0x3FB1]  }
0x39: {  	_ = 	snop;
	(pc) =	sbr.ind lr, $3  }
0x3a: {  	_ = 	snop  }
0x3b: {  	_ = 	snop  }
0x3c: {  	p2 =	seq.s32 s10, $0x1;
	s10 =	sld [smem:$0x3FB0]  }
0x3d: {  	_ =	shalt  }
0x3e: {  	_ =	shalt  }
0x3f: {  	_ =	shalt  }
0x40: {  	_ =	shalt  }
0x41: {  	_ =	shalt  }
0x42: {  	_ =	shalt  }
0x43: {  	_ =	shalt  }
0x44: {  	_ =	shalt  }
0x45: {  	_ =	shalt  }
0x46: {  	_ =	shalt  }
0x47: {  	_ =	shalt  }
0x48: {  	_ =	shalt  }
0x49: {  	_ =	shalt  }
0x4a: {  	_ =	shalt  }
0x4b: {  	_ =	shalt  }
0x4c: {  	_ =	shalt  }
0x4d: {  	_ =	shalt  }
0x4e: {  	_ =	shalt  }
0x4f: {  	_ =	shalt  }
0x50: {  	_ =	shalt  }
0x51: {  	_ =	shalt  }
0x52: {  	_ =	shalt  }
0x53: {  	_ =	shalt  }
0x54: {  	_ =	shalt  }
0x55: {  	_ =	shalt  }
0x56: {  	_ =	shalt  }
0x57: {  	_ =	shalt  }
0x58: {  	_ =	shalt  }
0x59: {  	_ =	shalt  }
0x5a: {  	_ =	shalt  }
0x5b: {  	_ =	shalt  }
0x5c: {  	_ =	shalt  }
0x5d: {  	_ =	shalt  }
0x5e: {  	_ =	shalt  }
0x5f: {  	_ =	shalt  }
0x60: {  	_ =	shalt  }
0x61: {  	_ =	shalt  }
0x62: {  	_ =	shalt  }
0x63: {  	_ =	shalt  }
0x64: {  	_ =	shalt  }
0x65: {  	_ =	shalt  }
0x66: {  	_ =	shalt  }
0x67: {  	_ =	shalt  }
0x68: {  	_ =	shalt  }
0x69: {  	_ =	shalt  }
0x6a: {  	_ =	shalt  }
0x6b: {  	_ =	shalt  }
0x6c: {  	_ =	shalt  }
0x6d: {  	_ =	shalt  }
0x6e: {  	_ =	shalt  }
0x6f: {  	_ =	shalt  }
0x70: {  	_ =	shalt  }
0x71: {  	_ =	shalt  }
0x72: {  	_ =	shalt  }
0x73: {  	_ =	shalt  }
0x74: {  	_ =	shalt  }
0x75: {  	_ =	shalt  }
0x76: {  	_ =	shalt  }
0x77: {  	_ =	shalt  }
0x78: {  	_ =	shalt  }
0x79: {  	_ =	shalt  }
0x7a: {  	_ =	shalt  }
0x7b: {  	_ =	shalt  }
0x7c: {  	_ =	shalt  }
0x7d: {  	_ =	shalt  }
0x7e: {  	_ =	shalt  }
0x7f: {  	_ =	shalt  }
0x80: {  	_ =	shalt  }
0x81: {  	_ =	shalt  }
0x82: {  	_ =	shalt  }
0x83: {  	_ =	shalt  }
0x84: {  	_ =	shalt  }
0x85: {  	_ =	shalt  }
0x86: {  	_ =	shalt  }
0x87: {  	_ =	shalt  }
.Lfunc_end0:
.L_simem_size_0:
called_computation.2_lowered:
.L_overlay_start_0:
0x88: {  	s2 =	sld [smem:$0x3FD9]  }
0x89: {  	s3 =	sld [smem:$0x3FFE];
	_ =	sdelay $0x1  }
0x8a: {  	s1 =	srdreg.scid  }
0x8b: {  	s0 =	sand.u32 $0x1, s1  }
0x8c: {  	s16 =	sshll.u32 s0, $0xA;
	s2 =	sadd.s32 s3, s2  }
0x8d: {  	s2 =	sadd.s32 s2, s16  }
0x8e: {  	[smem:$0x3FBC] =	sst s2  }
0x8f: {  	_ = 	snop  }
0x90: {  	(tm) =	ssettm $0x1  }
0x91: {  	s17 =	sld [smem:$0x3FFB];
	_ =	sdelay $0x3  }
0x92: {  	_ =	strace s17  }
0x93: {  	s2 =	sld [smem:$0x3FFC];
	_ =	sdelay $0x3  }
0x94: {  	_ =	strace s2  }
0x95: {  	s2 =	sld [smem:$0x3FFD];
	_ =	sdelay $0x3  }
0x96: {  	_ =	strace s2  }
0x97: {  	_ =	strace $0x8FFFFFFF  }
0x98: {  	s18 =	sld [smem:$0x3FDB];
	_ =	sdelay $0x1  }
0x99: {  	s19 =	simm.s32 $_scs_section_size  }
0x9a: {  	s4 =	simm.s32 $_size__tile_overlayer_lowered;
	s5 =	simm.s32 $_tile_overlayer_lowered  }
0x9b: {  	s22 =	simm.s32 $0x1BFF;
	s21 =	sshll.u32 s5, $0x1;
	s2 =	sadd.s32 s19, s18  }
0x9c: {  	s6 =	simm.s32 $0x0;
	s20 =	sshll.u32 s4, $0x1;
	s4 =	sadd.s32 s21, s2  }
0x9d: {  	[timem:s6], [sflag:s22] =	dma.local [hbm:s4], s20  }
0x9e: {  	_ =	swait.ge [sflag:s22], s20  }
0x9f: {  	s3 =	ssub.s32 $0x0, s20;
	[sflag:s22] =	ssyncset.done $0x0  }
0xa0: {  	[sflag:s22] =	ssyncadd.s32 s3;
	_ =	sdelay $0x1  }
0xa1: {  	s23 =	simm.s32 $0x1B8B  }
0xa2: {  	_ =	swait.ge [sflag:s23], $0x1  }
0xa3: {  	[sflag:s23] =	ssyncset.done $0x0  }
0xa4: {  	s25 =	simm.s32 $0x1B8E;
	s24 =	sld [smem:$0x3FFE];
	[sflag:s23] =	ssyncadd.s32 $0xFFFFFFFF  }
0xa5: {  	s26 =	simm.s32 $execute0_lowered;
	[smem:$0x3FD2] =	sst s25  }
0xa6: {  	s4 =	sshll.u32 s26, $0x1;
	_ =	strace $0x8000004C;
	[dreg:$0x1] =	wrdreg $0xFFFFFFFF  }
0xa7: {  	s28 =	simm.s32 $_size_execute0_lowered;
	s2 =	sadd.s32 s2, s4;
	[dreg:$0x0] =	wrdreg $0x0  }
0xa8: {  	s4 =	sshll.u32 s28, $0x1;
	[dreg:$0x2] =	wrdreg s2  }
0xa9: {  	[dreg:$0x3] =	wrdreg s4  }
0xaa: {  	[dreg:$0x4] =	wrdreg $0xC0  }
0xab: {  	_ =	task [dreg:s6], $0x5FFFF  }
0xac: {  	[dreg:$0x1] =	wrdreg $0xFFFFFFFF  }
0xad: {  	[dreg:$0x0] =	wrdreg $0x60  }
0xae: {  	[dreg:$0x2] =	wrdreg s24  }
0xaf: {  	[dreg:$0x3] =	wrdreg $0x14F000  }
0xb0: {  	[dreg:$0x4] =	wrdreg $0xB1000  }
0xb1: {  	[dreg:$0x5] =	wrdreg $0x9  }
0xb2: {  	_ =	task.clear_ibuf [dreg:s6], $0x6FFFF;
	_ =	strace $0x9000004C  }
0xb3: {  	s29 =	simm.s32 $0x9;
	_ =	strace $0x8000004E  }
0xb4: {  	_ =	swait.ge [sflag:s29], $0x1  }
0xb5: {  	[sflag:s29] =	ssyncadd.s32 $0xFFFFFFFF  }
0xb6: {  	_ =	strace $0x9000004E  }
0xb7: {  	_ =	sfence  }
0xb8: {  	s30 =	sld [smem:$0x0];
	_ =	sdelay $0x2  }
0xb9: {  	s31 =	sshll.u32 s1, $0xD;
	s1 =	sshrl.u32 s1, $0x2  }
0xba: {  	s3 =	sand.u32 $0x4000, s31;
	s1 =	sadd.s32 s1, s30  }
0xbb: {  	s0 =	sor.u32 s3, s0;
	s1 =	sshll.u32 s1, $0x11  }
0xbc: {  	s0 =	sor.u32 s1, s0  }
0xbd: {  	s0 =	sadd.s32 $0x8F2B, s0  }
0xbe: {  	[sflag:s0] =	ssyncadd.remote.s32 $0x1  }
0xbf: {  	_ =	sfence.sel $0xFFFF  }
0xc0: {  	[dreg:$0x0] =	wrdreg $0xFFFFFFFF;
	(pc) =	sbr.abs _section_cstart, $3  }
0xc1: {  	[dreg:$0x1] =	wrdreg $0xFFFFFFFF  }
0xc2: {  	_ =	task.clear_ibuf [dreg:s6], $0x2FFFF;
	_ =	strace $0x9FFFFFFF  }
0xc3: {  	(tm) =	ssettm $0x7FFFFFFF  }
tec
execute0_lowered:
.L_overlay_start_1:
0x0: {  	(tag) =	ssettag $0x1  }
0x1: {  	s0 =	rddreg [dreg:$0x0]  }
0x2: {  	s2 =	rddreg [dreg:$0x1]  }
0x3: {  	s3 =	rddreg [dreg:$0x2]  }
0x4: {  	s1 =	srdreg.scid;
	s12 =	stileid.u32;
	s4 =	simm.s32 $0x0  }
0x5: {  	s14 =	simm.s32 $0x8;
	s16 =	simm.s32 $0x7;
	s17 =	simm.s32 $0x80  }
0x6: {  	s18 =	simm.s32 $0x5100;
	s19 =	simm.s32 $0x1;
	s20 =	simm.s32 $0x7100  }
0x7: {  	s21 =	simm.s32 $0x2;
	s24 =	simm.s32 $0x9100;
	s25 =	simm.s32 $0x3  }
0x8: {  	s28 =	simm.s32 $0x4;
	s29 =	simm.s32 $0x180;
	s30 =	simm.s32 $0x5  }
0x9: {  	s31 =	simm.s32 $0x6;
	s1 =	sand.u32 $0x1, s1;
	s5 =	sshll.u32 s12, $0x1  }
0xa: {  	s9 =	smul.u32 $0x9E00, s12;
	[smem:$0x7FF] =	sst s4;
	s26 =	sshll.u32 s12, $0x6  }
0xb: {  	s12 =	simm.s32 $0x2880;
	s5 =	sor.u32 s1, s5;
	s6 =	ssub.s32 $0x2, s1  }
0xc: {  	_ =	strace $0x8000004D;
	p0 =	seq.s32 s1, $0x1;
	s1 =	simm.s32 $0x77000  }
0xd: {  	s5 =	smul.u32 $0x510, s5;
	s7 =	sshrl.u32 s9, $0x3;
	s8 =	sshrl.u32 s6, $0x1  }
0xe: {  	s13 =	sadd.s32 s9, s2;
	s15 =	sadd.s32 s9, s3;
	s1 =	simm.s32 @!p0 $0x63400  }
.Ltmp0:
0xf: {  	s11 =	ssub.s32 s6, s8;
	s8 =	sor.u32 $0x1C08, s26;
	(pc) =	sbr.rel .LBB2_1-.Ltmp0, $4  }
0x10: {  	s13 =	sshrl.u32 s13, $0x3;
	s15 =	sshrl.u32 s15, $0x3;
	s10 =	sadd.s32 s5, s0  }
0x11: {  	s26 =	simm.s32 $0x2980;
	s0 =	sadd.s32 s7, s0;
	s5 =	sadd.s32 $0x45600, s10  }
0x12: {  	s6 =	sadd.s32 $0x4C00, s10;
	s7 =	sadd.s32 $0x4F800, s0;
	s9 =	sadd.s32 $0x8AC00, s0  }
0x13: {  	s10 =	smax.u32 s11, $0x1;
	s11 =	sadd.s32 s1, s0;
	s0 =	simm.s32 $0x0  }
.LBB2_4:
0x14: {  	_ =	swait.ge [sflag:s31], $0x2000  }
0x15: {  	[sflag:s31] =	ssyncset.done $0x0  }
0x16: {  	[sflag:s31] =	ssyncadd.s32 $0xFFFFE000  }
0x17: {  	_ =	swait.ge [sflag:s30], $0x2000  }
0x18: {  	s0 =	sadd.s32 $0x1, s0;
	[sflag:s30] =	ssyncset.done $0x0  }
0x19: {  	p0 =	sne.s32 s0, s10;
	[sflag:s30] =	ssyncadd.s32 $0xFFFFE000  }
.Ltmp1:
0x1a: {  	[bflag:$0x0] =	sbarrier.arrive $0xFFFF;
	(pc) =	sbr.rel @!p0 .LBB2_5-.Ltmp1, $4  }
0x1b: {  	[hbm:s11], [sflag:s8] =	dma.local [spmem:s15], $0x13C0  }
0x1c: {  	_ =	swait.ge [sflag:s14], $0x13C0  }
0x1d: {  	[sflag:s14] =	ssyncset.done $0x0  }
0x1e: {  	[sflag:s14] =	ssyncadd.s32 $0xFFFFEC40  }
.LBB2_1:
0x1f: {  	[tilespmem:s4], [sflag:$0x7] =	stream.linear.gather [hbm4b:s5+s4], $0x2880, $0x38;
	[tilespmem:$0x1ED00] =	vst v63  }
0x20: {  	_ = 	snop  }
0x21: {  	[tilespmem:s12], [sflag:$0x7] =	stream.linear.gather [hbm4b:s6+s4], $0x2880, $0x38;
	[tilespmem:$0x1ED00] =	vst v63  }
0x22: {  	[spmem:s13], [sflag:s8] =	dma.local [hbm:s7], $0x13C0  }
0x23: {  	_ =	swait.ge [sflag:s14], $0x13C0  }
0x24: {  	[sflag:s14] =	ssyncset.done $0x0  }
0x25: {  	[sflag:s14] =	ssyncadd.s32 $0xFFFFEC40  }
0x26: {  	[spmem:s15], [sflag:s8] =	dma.local [hbm:s9], $0x13C0  }
0x27: {  	_ =	swait.ge [sflag:s14], $0x13C0  }
0x28: {  	[sflag:s14] =	ssyncset.done $0x0  }
0x29: {  	[sflag:s14] =	ssyncadd.s32 $0xFFFFEC40  }
0x2a: {  	_ =	swait.ge [sflag:s16], $0x2880  }
0x2b: {  	[sflag:s16] =	ssyncset.done $0x0  }
0x2c: {  	[sflag:s16] =	ssyncadd.s32 $0xFFFFD780  }
0x2d: {  	_ =	swait.ge [sflag:s16], $0x2880  }
0x2e: {  	[sflag:s16] =	ssyncset.done $0x0  }
0x2f: {  	[sflag:s16] =	ssyncadd.s32 $0xFFFFD780  }
0x30: {  	[bflag:$0x0] =	sbarrier.arrive $0xFFFF  }
0x31: {  	[tilespmem:s18], [sflag:$0x1] =	stream.indirect.gather [spmem:s2], $0x40, s4, s17, $0xb8;
	[tilespmem:$0x1ED00] =	vst v63  }
0x32: {  	_ =	swait.ge [sflag:s19], $0x2000  }
0x33: {  	[sflag:s19] =	ssyncset.done $0x0  }
0x34: {  	[sflag:s19] =	ssyncadd.s32 $0xFFFFE000  }
0x35: {  	[spmem:s3] =	stream.indirect.scatter.add.f32 [tilespmem:s18], [sflag:$0x4], $0x40, s12, s17, $0xb8;
	[tilespmem:$0x1ED00] =	vst v63  }
0x36: {  	_ = 	snop  }
0x37: {  	[tilespmem:s20], [sflag:$0x2] =	stream.indirect.gather [spmem:s2], $0x40, s17, s17, $0xb8;
	[tilespmem:$0x1ED00] =	vst v63  }
0x38: {  	_ =	swait.ge [sflag:s21], $0x2000  }
0x39: {  	[sflag:s21] =	ssyncset.done $0x0  }
0x3a: {  	s1 =	simm.s32 $0x2900;
	[sflag:s21] =	ssyncadd.s32 $0xFFFFE000  }
0x3b: {  	[spmem:s3] =	stream.indirect.scatter.add.f32 [tilespmem:s20], [sflag:$0x5], $0x40, s1, s17, $0xb8;
	[tilespmem:$0x1ED00] =	vst v63  }
0x3c: {  	s23 =	simm.s32 $0x100  }
0x3d: {  	[tilespmem:s24], [sflag:$0x3] =	stream.indirect.gather [spmem:s2], $0x40, s23, s17, $0xb8;
	[tilespmem:$0x1ED00] =	vst v63  }
0x3e: {  	_ =	swait.ge [sflag:s25], $0x2000  }
0x3f: {  	[sflag:s25] =	ssyncset.done $0x0  }
0x40: {  	[sflag:s25] =	ssyncadd.s32 $0xFFFFE000  }
0x41: {  	[spmem:s3] =	stream.indirect.scatter.add.f32 [tilespmem:s24], [sflag:$0x6], $0x40, s26, s17, $0xb8;
	[tilespmem:$0x1ED00] =	vst v63  }
0x42: {  	_ =	swait.ge [sflag:s28], $0x2000  }
0x43: {  	[sflag:s28] =	ssyncset.done $0x0  }
0x44: {  	s1 =	simm.s32 $0x0;
	[sflag:s28] =	ssyncadd.s32 $0xFFFFE000  }
0x45: {  	[tilespmem:s18], [sflag:$0x1] =	stream.indirect.gather [spmem:s2], $0x40, s29, s17, $0xb8;
	[tilespmem:$0x1ED00] =	vst v63  }
.LBB2_2:
0x46: {  	_ =	swait.ge [sflag:s19], $0x2000  }
0x47: {  	s22 =	sshra.s32 s1, $0x2;
	[sflag:s19] =	ssyncset.done $0x0  }
0x48: {  	s23 =	sadd.s32 $0x2A00, s22;
	[sflag:s19] =	ssyncadd.s32 $0xFFFFE000  }
0x49: {  	[spmem:s3] =	stream.indirect.scatter.add.f32 [tilespmem:s18], [sflag:$0x4], $0x40, s23, s17, $0xb8;
	[tilespmem:$0x1ED00] =	vst v63  }
0x4a: {  	_ =	swait.ge [sflag:s30], $0x2000  }
0x4b: {  	[sflag:s30] =	ssyncset.done $0x0  }
0x4c: {  	s23 =	sadd.s32 $0x200, s22;
	[sflag:s30] =	ssyncadd.s32 $0xFFFFE000  }
0x4d: {  	[tilespmem:s20], [sflag:$0x2] =	stream.indirect.gather [spmem:s2], $0x40, s23, s17, $0xb8;
	[tilespmem:$0x1ED00] =	vst v63  }
0x4e: {  	_ =	swait.ge [sflag:s21], $0x2000  }
0x4f: {  	[sflag:s21] =	ssyncset.done $0x0  }
0x50: {  	s23 =	sadd.s32 $0x2A80, s22;
	[sflag:s21] =	ssyncadd.s32 $0xFFFFE000  }
0x51: {  	[spmem:s3] =	stream.indirect.scatter.add.f32 [tilespmem:s20], [sflag:$0x5], $0x40, s23, s17, $0xb8;
	[tilespmem:$0x1ED00] =	vst v63  }
0x52: {  	_ =	swait.ge [sflag:s31], $0x2000  }
0x53: {  	[sflag:s31] =	ssyncset.done $0x0  }
0x54: {  	s23 =	sadd.s32 $0x280, s22;
	[sflag:s31] =	ssyncadd.s32 $0xFFFFE000  }
0x55: {  	[tilespmem:s24], [sflag:$0x3] =	stream.indirect.gather [spmem:s2], $0x40, s23, s17, $0xb8;
	[tilespmem:$0x1ED00] =	vst v63  }
0x56: {  	_ =	swait.ge [sflag:s25], $0x2000  }
0x57: {  	p0 =	seq.s32 s1, $0x9600;
	[sflag:s25] =	ssyncset.done $0x0  }
.Ltmp2:
0x58: {  	s23 =	sadd.s32 $0x2B00, s22;
	[sflag:s25] =	ssyncadd.s32 $0xFFFFE000;
	(pc) =	sbr.rel @p0 .LBB2_4-.Ltmp2, $4  }
0x59: {  	[spmem:s3] =	stream.indirect.scatter.add.f32 [tilespmem:s24], [sflag:$0x6], $0x40, s23, s17, $0xb8;
	[tilespmem:$0x1ED00] =	vst v63  }
0x5a: {  	_ =	swait.ge [sflag:s28], $0x2000  }
0x5b: {  	[sflag:s28] =	ssyncset.done $0x0  }
0x5c: {  	[sflag:s28] =	ssyncadd.s32 $0xFFFFE000  }
.Ltmp3:
0x5d: {  	(pc) =	sbr.rel .LBB2_2-.Ltmp3, $3  }
0x5e: {  	_ =	sdelay $0x1  }
0x5f: {  	s22 =	sadd.s32 $0x300, s22;
	s1 =	sadd.s32 $0x600, s1  }
0x60: {  	[tilespmem:s18], [sflag:$0x1] =	stream.indirect.gather [spmem:s2], $0x40, s22, s17, $0xb8;
	[tilespmem:$0x1ED00] =	vst v63  }
.LBB2_5:
0x61: {  	_ =	sfence.sel $0x180000  }
0x62: {  	[bflag:$0x0] =	sbarrier.arrive $0xFFFF  }
0x63: {  	_ =	strace $0x9000004D  }
0x64: {  	s0 =	stileid.u32;
	[bflag:$0x2] =	sbarrier.arrive $0xFFFF  }
0x65: {  	p0 =	sne.s32 s0, $0x0;
	s0 =	rddreg [dreg:$0x3]  }
0x66: {  	s0 =	sadd.s32 @!p0 $0x100000, s0  }
0x67: {  	[sflag:s0] =	ssyncadd.tile.s32 @!p0 $0x1;
	_ =	shalt  }
.Lfunc_end2:
_tile_overlayer_lowered:
.L_overlay_start_2:
0x68: {  	(tag) =	ssettag $0x2  }
0x69: {  	s0 =	rddreg [dreg:$0x0];
	s2 =	stileid.u32  }
0x6a: {  	s1 =	rddreg [dreg:$0x1];
	p0 =	sne.s32 s2, $0x0  }
0x6b: {  	s3 =	rddreg [dreg:$0x2];
	[bflag:$0x3] =	sbarrier.arrive $0xFFFF;
	s2 =	simm.s32 @!p0 $0x1C08  }
0x6c: {  	[timem:s3], [sflag:s2] =	dma.local @!p0 [hbm:s0], s1  }
0x6d: {  	s0 =	simm.s32 @!p0 $0x8  }
0x6e: {  	_ =	swait.ge @!p0 [sflag:s0], s1  }
0x6f: {  	s1 =	ssub.s32 @!p0 $0x0, s1;
	[sflag:s0] =	ssyncset.done @!p0 $0x0  }
0x70: {  	[sflag:s0] =	ssyncadd.s32 @!p0 s1  }
0x71: {  	[bflag:$0x3] =	sbarrier.arrive $0xFFFF  }
0x72: {  	_ =	shalt  }

// kernel: kernel.20.cloned.1.call-start
scs
__scs_entry_jumppad:
0x0: {  	(pc) =	sbr.rel $0x88, $3  }
0x1: {  	(tag) =	ssettag $0x0;
	lr =	simm.s32 $0x1  }
0x2: {  	[smem:$0x3F95] =	sst lr;
	_ =	strace $0xD0000000  }
0x3: {  	_ = 	snop  }
0x4: {  	_ = 	snop  }
0x5: {  	_ = 	snop  }
0x6: {  	_ = 	snop  }
0x7: {  	_ = 	snop  }
__scs_overlays_trampoline_lowered:
0x8: {  	[smem:$0x3FA4] =	sst s0  }
0x9: {  	[smem:$0x3FA5] =	sst s1  }
0xa: {  	[smem:$0x3FA6] =	sst s2  }
0xb: {  	[smem:$0x3FA7] =	sst s3  }
0xc: {  	[smem:$0x3FA8] =	sst s4  }
0xd: {  	[smem:$0x3FA9] =	sst s5  }
0xe: {  	[smem:$0x3FAA] =	sst s6  }
0xf: {  	[smem:$0x3FAB] =	sst s7  }
0x10: {  	[smem:$0x3FAC] =	sst s8  }
0x11: {  	[smem:$0x3FAD] =	sst s9;
	s0 =	simm.s32 @!p0 $0x0  }
0x12: {  	s1 =	sld [smem:$0x3F93];
	s0 =	simm.s32 @p0 $0x1  }
0x13: {  	[smem:$0x3FAE] =	sst s0;
	s0 =	simm.s32 @!p1 $0x0  }
0x14: {  	s2 =	sld [smem:$0x3F92];
	s0 =	simm.s32 @p1 $0x1  }
0x15: {  	[smem:$0x3FAF] =	sst s0;
	s0 =	simm.s32 @!p2 $0x0  }
0x16: {  	s3 =	sld [smem:$0x3FDB];
	s0 =	simm.s32 @p2 $0x1  }
0x17: {  	s4 =	simm.s32 $0x1BF5;
	[smem:$0x3FB1] =	sst s0  }
0x18: {  	s0 =	sld [smem:$0x3F94];
	_ =	swait.ge [sflag:s4], $0x0  }
0x19: {  	s7 =	sld [smem:$0x3F95]  }
0x1a: {  	s8 =	sadd.s32 $0xFFFFE003, lr  }
0x1b: {  	s9 =	sadd.s32 $0xFFFFFEF7, lr;
	s5 =	simm.s32 $0xFFFFFFFF;
	p2 =	slt.u32 s8, $0xFFFFF086  }
0x1c: {  	p1 =	slt.u32 s9, $0xF7A;
	s5 =	simm.s32 @!p2 $0x0  }
0x1d: {  	s5 =	simm.s32 @p1 $0x1;
	p0 =	seq.s32 s7, s2  }
0x1e: {  	s7 =	smul.u32 @!p0 $0xF7A, s2;
	p2 =	seq.s32 @!p0 s5, $0x0  }
0x1f: {  	s9 =	smul.u32 $0xF7A, s1;
	s8 =	simm.s32 @!p0 $0x1BF5;
	p2 =	por !p2, p0  }
0x20: {  	[sflag:s8] =	ssyncset.s32 @!p0 $0xFFFFF086;
	s6 =	sadd.s32 @!p0 s3, s7;
	s7 =	simm.s32 @!p0 $0x108  }
0x21: {  	s3 =	sadd.s32 s3, s9;
	s6 =	sadd.s32 @!p0 $0x88, s6;
	s7 =	simm.s32 @p2 $0x1082  }
0x22: {  	[simem:s7], [sflag:s8] =	dma.local @!p0 [hbm:s6], $0xF7A  }
0x23: {  	s9 =	sor.u32 $0xD0000000, s2;
	s6 =	simm.s32 $0x108;
	_ =	swait.ge @!p0 [sflag:s8], $0x0  }
0x24: {  	s3 =	sadd.s32 $0x88, s3;
	s6 =	simm.s32 @!p1 $0x1082;
	[sflag:s4] =	ssyncset.s32 $0xFFFFF086  }
0x25: {  	[simem:s6], [sflag:s4] =	dma.local [hbm:s3], $0xF7A  }
0x26: {  	[smem:$0x3F95] =	sst s1;
	(tag) =	ssettag s2;
	_ =	strace s9  }
0x27: {  	s1 =	sld [smem:$0x3FA5]  }
0x28: {  	s2 =	sld [smem:$0x3FA6]  }
0x29: {  	s4 =	sld [smem:$0x3FA8]  }
0x2a: {  	p0 =	seq.s32 s5, $0x0;
	s5 =	sld [smem:$0x3FA9]  }
0x2b: {  	s6 =	sld [smem:$0x3FAA]  }
0x2c: {  	s7 =	sld [smem:$0x3FAB]  }
0x2d: {  	s3 =	simm.s32 $0x108;
	s8 =	sld [smem:$0x3FAC]  }
0x2e: {  	s3 =	simm.s32 @!p0 $0x1082;
	s9 =	sld [smem:$0x3FAD]  }
0x2f: {  	lr =	sadd.s32 s0, s3;
	s0 =	sld [smem:$0x3FA4]  }
0x30: {  	s3 =	sld [smem:$0x3FA7]  }
0x31: {  	[smem:$0x3FB0] =	sst s10  }
0x32: {  	s10 =	sld [smem:$0x3FAE];
	_ =	sdelay $0x3  }
0x33: {  	p0 =	seq.s32 s10, $0x1;
	s10 =	sld [smem:$0x3FB0];
	_ =	sdelay $0x3  }
0x34: {  	[smem:$0x3FB0] =	sst s10  }
0x35: {  	s10 =	sld [smem:$0x3FAF];
	_ =	sdelay $0x3  }
0x36: {  	p1 =	seq.s32 s10, $0x1;
	s10 =	sld [smem:$0x3FB0];
	_ =	sdelay $0x3  }
0x37: {  	[smem:$0x3FB0] =	sst s10  }
0x38: {  	s10 =	sld [smem:$0x3FB1]  }
0x39: {  	_ = 	snop;
	(pc) =	sbr.ind lr, $3  }
0x3a: {  	_ = 	snop  }
0x3b: {  	_ = 	snop  }
0x3c: {  	p2 =	seq.s32 s10, $0x1;
	s10 =	sld [smem:$0x3FB0]  }
0x3d: {  	_ =	shalt  }
0x3e: {  	_ =	shalt  }
0x3f: {  	_ =	shalt  }
0x40: {  	_ =	shalt  }
0x41: {  	_ =	shalt  }
0x42: {  	_ =	shalt  }
0x43: {  	_ =	shalt  }
0x44: {  	_ =	shalt  }
0x45: {  	_ =	shalt  }
0x46: {  	_ =	shalt  }
0x47: {  	_ =	shalt  }
0x48: {  	_ =	shalt  }
0x49: {  	_ =	shalt  }
0x4a: {  	_ =	shalt  }
0x4b: {  	_ =	shalt  }
0x4c: {  	_ =	shalt  }
0x4d: {  	_ =	shalt  }
0x4e: {  	_ =	shalt  }
0x4f: {  	_ =	shalt  }
0x50: {  	_ =	shalt  }
0x51: {  	_ =	shalt  }
0x52: {  	_ =	shalt  }
0x53: {  	_ =	shalt  }
0x54: {  	_ =	shalt  }
0x55: {  	_ =	shalt  }
0x56: {  	_ =	shalt  }
0x57: {  	_ =	shalt  }
0x58: {  	_ =	shalt  }
0x59: {  	_ =	shalt  }
0x5a: {  	_ =	shalt  }
0x5b: {  	_ =	shalt  }
0x5c: {  	_ =	shalt  }
0x5d: {  	_ =	shalt  }
0x5e: {  	_ =	shalt  }
0x5f: {  	_ =	shalt  }
0x60: {  	_ =	shalt  }
0x61: {  	_ =	shalt  }
0x62: {  	_ =	shalt  }
0x63: {  	_ =	shalt  }
0x64: {  	_ =	shalt  }
0x65: {  	_ =	shalt  }
0x66: {  	_ =	shalt  }
0x67: {  	_ =	shalt  }
0x68: {  	_ =	shalt  }
0x69: {  	_ =	shalt  }
0x6a: {  	_ =	shalt  }
0x6b: {  	_ =	shalt  }
0x6c: {  	_ =	shalt  }
0x6d: {  	_ =	shalt  }
0x6e: {  	_ =	shalt  }
0x6f: {  	_ =	shalt  }
0x70: {  	_ =	shalt  }
0x71: {  	_ =	shalt  }
0x72: {  	_ =	shalt  }
0x73: {  	_ =	shalt  }
0x74: {  	_ =	shalt  }
0x75: {  	_ =	shalt  }
0x76: {  	_ =	shalt  }
0x77: {  	_ =	shalt  }
0x78: {  	_ =	shalt  }
0x79: {  	_ =	shalt  }
0x7a: {  	_ =	shalt  }
0x7b: {  	_ =	shalt  }
0x7c: {  	_ =	shalt  }
0x7d: {  	_ =	shalt  }
0x7e: {  	_ =	shalt  }
0x7f: {  	_ =	shalt  }
0x80: {  	_ =	shalt  }
0x81: {  	_ =	shalt  }
0x82: {  	_ =	shalt  }
0x83: {  	_ =	shalt  }
0x84: {  	_ =	shalt  }
0x85: {  	_ =	shalt  }
0x86: {  	_ =	shalt  }
0x87: {  	_ =	shalt  }
.Lfunc_end0:
.L_simem_size_0:
called_computation.3_lowered:
.L_overlay_start_0:
0x88: {  	s2 =	sld [smem:$0x3FD9]  }
0x89: {  	s3 =	sld [smem:$0x3FFE];
	_ =	sdelay $0x1  }
0x8a: {  	s1 =	srdreg.scid  }
0x8b: {  	s0 =	sand.u32 $0x1, s1  }
0x8c: {  	s16 =	sshll.u32 s0, $0xA;
	s2 =	sadd.s32 s3, s2  }
0x8d: {  	s2 =	sadd.s32 s2, s16  }
0x8e: {  	[smem:$0x3FBC] =	sst s2  }
0x8f: {  	_ = 	snop  }
0x90: {  	(tm) =	ssettm $0x1  }
0x91: {  	s17 =	sld [smem:$0x3FFB];
	_ =	sdelay $0x3  }
0x92: {  	_ =	strace s17  }
0x93: {  	s2 =	sld [smem:$0x3FFC];
	_ =	sdelay $0x3  }
0x94: {  	_ =	strace s2  }
0x95: {  	s2 =	sld [smem:$0x3FFD];
	_ =	sdelay $0x3  }
0x96: {  	_ =	strace s2  }
0x97: {  	_ =	strace $0x8FFFFFFF  }
0x98: {  	s18 =	sld [smem:$0x3FDB];
	_ =	sdelay $0x1  }
0x99: {  	s19 =	simm.s32 $_scs_section_size  }
0x9a: {  	s4 =	simm.s32 $_size__tile_overlayer_lowered;
	s5 =	simm.s32 $_tile_overlayer_lowered  }
0x9b: {  	s22 =	simm.s32 $0x1BFF;
	s21 =	sshll.u32 s5, $0x1;
	s2 =	sadd.s32 s19, s18  }
0x9c: {  	s6 =	simm.s32 $0x0;
	s20 =	sshll.u32 s4, $0x1;
	s4 =	sadd.s32 s21, s2  }
0x9d: {  	[timem:s6], [sflag:s22] =	dma.local [hbm:s4], s20  }
0x9e: {  	_ =	swait.ge [sflag:s22], s20  }
0x9f: {  	s3 =	ssub.s32 $0x0, s20;
	[sflag:s22] =	ssyncset.done $0x0  }
0xa0: {  	[sflag:s22] =	ssyncadd.s32 s3;
	_ =	sdelay $0x1  }
0xa1: {  	s23 =	simm.s32 $0x1B8B  }
0xa2: {  	_ =	swait.ge [sflag:s23], $0x1  }
0xa3: {  	[sflag:s23] =	ssyncset.done $0x0  }
0xa4: {  	s25 =	simm.s32 $0x1B8E;
	s24 =	sld [smem:$0x3FFE];
	[sflag:s23] =	ssyncadd.s32 $0xFFFFFFFF  }
0xa5: {  	s26 =	simm.s32 $execute0_lowered;
	[smem:$0x3FD2] =	sst s25  }
0xa6: {  	s4 =	sshll.u32 s26, $0x1;
	_ =	strace $0x8000004F;
	[dreg:$0x1] =	wrdreg $0xFFFFFFFF  }
0xa7: {  	s28 =	simm.s32 $_size_execute0_lowered;
	s2 =	sadd.s32 s2, s4;
	[dreg:$0x0] =	wrdreg $0x0  }
0xa8: {  	s4 =	sshll.u32 s28, $0x1;
	[dreg:$0x2] =	wrdreg s2  }
0xa9: {  	[dreg:$0x3] =	wrdreg s4  }
0xaa: {  	[dreg:$0x4] =	wrdreg $0xC0  }
0xab: {  	_ =	task [dreg:s6], $0x5FFFF  }
0xac: {  	[dreg:$0x1] =	wrdreg $0xFFFFFFFF  }
0xad: {  	[dreg:$0x0] =	wrdreg $0x60  }
0xae: {  	[dreg:$0x2] =	wrdreg s24  }
0xaf: {  	[dreg:$0x3] =	wrdreg $0x14F000  }
0xb0: {  	[dreg:$0x4] =	wrdreg $0xB1000  }
0xb1: {  	[dreg:$0x5] =	wrdreg $0x9  }
0xb2: {  	_ =	task.clear_ibuf [dreg:s6], $0x6FFFF;
	_ =	strace $0x9000004F  }
0xb3: {  	s29 =	simm.s32 $0x9;
	_ =	strace $0x80000051  }
0xb4: {  	_ =	swait.ge [sflag:s29], $0x1  }
0xb5: {  	[sflag:s29] =	ssyncadd.s32 $0xFFFFFFFF  }
0xb6: {  	_ =	strace $0x90000051  }
0xb7: {  	_ =	sfence  }
0xb8: {  	s30 =	sld [smem:$0x0];
	_ =	sdelay $0x2  }
0xb9: {  	s31 =	sshll.u32 s1, $0xD;
	s1 =	sshrl.u32 s1, $0x2  }
0xba: {  	s3 =	sand.u32 $0x4000, s31;
	s1 =	sadd.s32 s1, s30  }
0xbb: {  	s0 =	sor.u32 s3, s0;
	s1 =	sshll.u32 s1, $0x11  }
0xbc: {  	s0 =	sor.u32 s1, s0  }
0xbd: {  	s0 =	sadd.s32 $0x8F2B, s0  }
0xbe: {  	[sflag:s0] =	ssyncadd.remote.s32 $0x1  }
0xbf: {  	_ =	sfence.sel $0xFFFF  }
0xc0: {  	[dreg:$0x0] =	wrdreg $0xFFFFFFFF;
	(pc) =	sbr.abs _section_cstart, $3  }
0xc1: {  	[dreg:$0x1] =	wrdreg $0xFFFFFFFF  }
0xc2: {  	_ =	task.clear_ibuf [dreg:s6], $0x2FFFF;
	_ =	strace $0x9FFFFFFF  }
0xc3: {  	(tm) =	ssettm $0x7FFFFFFF  }
tec
execute0_lowered:
.L_overlay_start_1:
0x0: {  	(tag) =	ssettag $0x1  }
0x1: {  	s0 =	rddreg [dreg:$0x0]  }
0x2: {  	s2 =	rddreg [dreg:$0x1]  }
0x3: {  	s3 =	rddreg [dreg:$0x2]  }
0x4: {  	s1 =	srdreg.scid;
	s12 =	stileid.u32;
	s4 =	simm.s32 $0x0  }
0x5: {  	s14 =	simm.s32 $0x8;
	s16 =	simm.s32 $0x7;
	s17 =	simm.s32 $0x80  }
0x6: {  	s18 =	simm.s32 $0x5100;
	s19 =	simm.s32 $0x1;
	s20 =	simm.s32 $0x7100  }
0x7: {  	s21 =	simm.s32 $0x2;
	s24 =	simm.s32 $0x9100;
	s25 =	simm.s32 $0x3  }
0x8: {  	s28 =	simm.s32 $0x4;
	s29 =	simm.s32 $0x180;
	s30 =	simm.s32 $0x5  }
0x9: {  	s31 =	simm.s32 $0x6;
	s1 =	sand.u32 $0x1, s1;
	s5 =	sshll.u32 s12, $0x1  }
0xa: {  	s9 =	smul.u32 $0x9E00, s12;
	[smem:$0x7FF] =	sst s4;
	s26 =	sshll.u32 s12, $0x6  }
0xb: {  	s12 =	simm.s32 $0x2880;
	s5 =	sor.u32 s1, s5;
	s6 =	ssub.s32 $0x2, s1  }
0xc: {  	_ =	strace $0x80000050;
	p0 =	seq.s32 s1, $0x1;
	s1 =	simm.s32 $0x63400  }
0xd: {  	s5 =	smul.u32 $0x510, s5;
	s7 =	sshrl.u32 s9, $0x3;
	s8 =	sshrl.u32 s6, $0x1  }
0xe: {  	s13 =	sadd.s32 s9, s2;
	s15 =	sadd.s32 s9, s3;
	s1 =	simm.s32 @!p0 $0x77000  }
.Ltmp0:
0xf: {  	s11 =	ssub.s32 s6, s8;
	s8 =	sor.u32 $0x1C08, s26;
	(pc) =	sbr.rel .LBB2_1-.Ltmp0, $4  }
0x10: {  	s13 =	sshrl.u32 s13, $0x3;
	s15 =	sshrl.u32 s15, $0x3;
	s10 =	sadd.s32 s5, s0  }
0x11: {  	s26 =	simm.s32 $0x2980;
	s0 =	sadd.s32 s7, s0;
	s5 =	sadd.s32 $0x45600, s10  }
0x12: {  	s6 =	sadd.s32 $0x4C00, s10;
	s7 =	sadd.s32 $0x4F800, s0;
	s9 =	sadd.s32 $0x8AC00, s0  }
0x13: {  	s10 =	smax.u32 s11, $0x1;
	s11 =	sadd.s32 s1, s0;
	s0 =	simm.s32 $0x0  }
.LBB2_4:
0x14: {  	_ =	swait.ge [sflag:s31], $0x2000  }
0x15: {  	[sflag:s31] =	ssyncset.done $0x0  }
0x16: {  	[sflag:s31] =	ssyncadd.s32 $0xFFFFE000  }
0x17: {  	_ =	swait.ge [sflag:s30], $0x2000  }
0x18: {  	s0 =	sadd.s32 $0x1, s0;
	[sflag:s30] =	ssyncset.done $0x0  }
0x19: {  	p0 =	sne.s32 s0, s10;
	[sflag:s30] =	ssyncadd.s32 $0xFFFFE000  }
.Ltmp1:
0x1a: {  	[bflag:$0x0] =	sbarrier.arrive $0xFFFF;
	(pc) =	sbr.rel @!p0 .LBB2_5-.Ltmp1, $4  }
0x1b: {  	[hbm:s11], [sflag:s8] =	dma.local [spmem:s15], $0x13C0  }
0x1c: {  	_ =	swait.ge [sflag:s14], $0x13C0  }
0x1d: {  	[sflag:s14] =	ssyncset.done $0x0  }
0x1e: {  	[sflag:s14] =	ssyncadd.s32 $0xFFFFEC40  }
.LBB2_1:
0x1f: {  	[tilespmem:s4], [sflag:$0x7] =	stream.linear.gather [hbm4b:s5+s4], $0x2880, $0x38;
	[tilespmem:$0x1ED00] =	vst v63  }
0x20: {  	_ = 	snop  }
0x21: {  	[tilespmem:s12], [sflag:$0x7] =	stream.linear.gather [hbm4b:s6+s4], $0x2880, $0x38;
	[tilespmem:$0x1ED00] =	vst v63  }
0x22: {  	[spmem:s13], [sflag:s8] =	dma.local [hbm:s7], $0x13C0  }
0x23: {  	_ =	swait.ge [sflag:s14], $0x13C0  }
0x24: {  	[sflag:s14] =	ssyncset.done $0x0  }
0x25: {  	[sflag:s14] =	ssyncadd.s32 $0xFFFFEC40  }
0x26: {  	[spmem:s15], [sflag:s8] =	dma.local [hbm:s9], $0x13C0  }
0x27: {  	_ =	swait.ge [sflag:s14], $0x13C0  }
0x28: {  	[sflag:s14] =	ssyncset.done $0x0  }
0x29: {  	[sflag:s14] =	ssyncadd.s32 $0xFFFFEC40  }
0x2a: {  	_ =	swait.ge [sflag:s16], $0x2880  }
0x2b: {  	[sflag:s16] =	ssyncset.done $0x0  }
0x2c: {  	[sflag:s16] =	ssyncadd.s32 $0xFFFFD780  }
0x2d: {  	_ =	swait.ge [sflag:s16], $0x2880  }
0x2e: {  	[sflag:s16] =	ssyncset.done $0x0  }
0x2f: {  	[sflag:s16] =	ssyncadd.s32 $0xFFFFD780  }
0x30: {  	[bflag:$0x0] =	sbarrier.arrive $0xFFFF  }
0x31: {  	[tilespmem:s18], [sflag:$0x1] =	stream.indirect.gather [spmem:s2], $0x40, s4, s17, $0xb8;
	[tilespmem:$0x1ED00] =	vst v63  }
0x32: {  	_ =	swait.ge [sflag:s19], $0x2000  }
0x33: {  	[sflag:s19] =	ssyncset.done $0x0  }
0x34: {  	[sflag:s19] =	ssyncadd.s32 $0xFFFFE000  }
0x35: {  	[spmem:s3] =	stream.indirect.scatter.add.f32 [tilespmem:s18], [sflag:$0x4], $0x40, s12, s17, $0xb8;
	[tilespmem:$0x1ED00] =	vst v63  }
0x36: {  	_ = 	snop  }
0x37: {  	[tilespmem:s20], [sflag:$0x2] =	stream.indirect.gather [spmem:s2], $0x40, s17, s17, $0xb8;
	[tilespmem:$0x1ED00] =	vst v63  }
0x38: {  	_ =	swait.ge [sflag:s21], $0x2000  }
0x39: {  	[sflag:s21] =	ssyncset.done $0x0  }
0x3a: {  	s1 =	simm.s32 $0x2900;
	[sflag:s21] =	ssyncadd.s32 $0xFFFFE000  }
0x3b: {  	[spmem:s3] =	stream.indirect.scatter.add.f32 [tilespmem:s20], [sflag:$0x5], $0x40, s1, s17, $0xb8;
	[tilespmem:$0x1ED00] =	vst v63  }
0x3c: {  	s23 =	simm.s32 $0x100  }
0x3d: {  	[tilespmem:s24], [sflag:$0x3] =	stream.indirect.gather [spmem:s2], $0x40, s23, s17, $0xb8;
	[tilespmem:$0x1ED00] =	vst v63  }
0x3e: {  	_ =	swait.ge [sflag:s25], $0x2000  }
0x3f: {  	[sflag:s25] =	ssyncset.done $0x0  }
0x40: {  	[sflag:s25] =	ssyncadd.s32 $0xFFFFE000  }
0x41: {  	[spmem:s3] =	stream.indirect.scatter.add.f32 [tilespmem:s24], [sflag:$0x6], $0x40, s26, s17, $0xb8;
	[tilespmem:$0x1ED00] =	vst v63  }
0x42: {  	_ =	swait.ge [sflag:s28], $0x2000  }
0x43: {  	[sflag:s28] =	ssyncset.done $0x0  }
0x44: {  	s1 =	simm.s32 $0x0;
	[sflag:s28] =	ssyncadd.s32 $0xFFFFE000  }
0x45: {  	[tilespmem:s18], [sflag:$0x1] =	stream.indirect.gather [spmem:s2], $0x40, s29, s17, $0xb8;
	[tilespmem:$0x1ED00] =	vst v63  }
.LBB2_2:
0x46: {  	_ =	swait.ge [sflag:s19], $0x2000  }
0x47: {  	s22 =	sshra.s32 s1, $0x2;
	[sflag:s19] =	ssyncset.done $0x0  }
0x48: {  	s23 =	sadd.s32 $0x2A00, s22;
	[sflag:s19] =	ssyncadd.s32 $0xFFFFE000  }
0x49: {  	[spmem:s3] =	stream.indirect.scatter.add.f32 [tilespmem:s18], [sflag:$0x4], $0x40, s23, s17, $0xb8;
	[tilespmem:$0x1ED00] =	vst v63  }
0x4a: {  	_ =	swait.ge [sflag:s30], $0x2000  }
0x4b: {  	[sflag:s30] =	ssyncset.done $0x0  }
0x4c: {  	s23 =	sadd.s32 $0x200, s22;
	[sflag:s30] =	ssyncadd.s32 $0xFFFFE000  }
0x4d: {  	[tilespmem:s20], [sflag:$0x2] =	stream.indirect.gather [spmem:s2], $0x40, s23, s17, $0xb8;
	[tilespmem:$0x1ED00] =	vst v63  }
0x4e: {  	_ =	swait.ge [sflag:s21], $0x2000  }
0x4f: {  	[sflag:s21] =	ssyncset.done $0x0  }
0x50: {  	s23 =	sadd.s32 $0x2A80, s22;
	[sflag:s21] =	ssyncadd.s32 $0xFFFFE000  }
0x51: {  	[spmem:s3] =	stream.indirect.scatter.add.f32 [tilespmem:s20], [sflag:$0x5], $0x40, s23, s17, $0xb8;
	[tilespmem:$0x1ED00] =	vst v63  }
0x52: {  	_ =	swait.ge [sflag:s31], $0x2000  }
0x53: {  	[sflag:s31] =	ssyncset.done $0x0  }
0x54: {  	s23 =	sadd.s32 $0x280, s22;
	[sflag:s31] =	ssyncadd.s32 $0xFFFFE000  }
0x55: {  	[tilespmem:s24], [sflag:$0x3] =	stream.indirect.gather [spmem:s2], $0x40, s23, s17, $0xb8;
	[tilespmem:$0x1ED00] =	vst v63  }
0x56: {  	_ =	swait.ge [sflag:s25], $0x2000  }
0x57: {  	p0 =	seq.s32 s1, $0x9600;
	[sflag:s25] =	ssyncset.done $0x0  }
.Ltmp2:
0x58: {  	s23 =	sadd.s32 $0x2B00, s22;
	[sflag:s25] =	ssyncadd.s32 $0xFFFFE000;
	(pc) =	sbr.rel @p0 .LBB2_4-.Ltmp2, $4  }
0x59: {  	[spmem:s3] =	stream.indirect.scatter.add.f32 [tilespmem:s24], [sflag:$0x6], $0x40, s23, s17, $0xb8;
	[tilespmem:$0x1ED00] =	vst v63  }
0x5a: {  	_ =	swait.ge [sflag:s28], $0x2000  }
0x5b: {  	[sflag:s28] =	ssyncset.done $0x0  }
0x5c: {  	[sflag:s28] =	ssyncadd.s32 $0xFFFFE000  }
.Ltmp3:
0x5d: {  	(pc) =	sbr.rel .LBB2_2-.Ltmp3, $3  }
0x5e: {  	_ =	sdelay $0x1  }
0x5f: {  	s22 =	sadd.s32 $0x300, s22;
	s1 =	sadd.s32 $0x600, s1  }
0x60: {  	[tilespmem:s18], [sflag:$0x1] =	stream.indirect.gather [spmem:s2], $0x40, s22, s17, $0xb8;
	[tilespmem:$0x1ED00] =	vst v63  }
.LBB2_5:
0x61: {  	_ =	sfence.sel $0x180000  }
0x62: {  	[bflag:$0x0] =	sbarrier.arrive $0xFFFF  }
0x63: {  	_ =	strace $0x90000050  }
0x64: {  	s0 =	stileid.u32;
	[bflag:$0x2] =	sbarrier.arrive $0xFFFF  }
0x65: {  	p0 =	sne.s32 s0, $0x0;
	s0 =	rddreg [dreg:$0x3]  }
0x66: {  	s0 =	sadd.s32 @!p0 $0x100000, s0  }
0x67: {  	[sflag:s0] =	ssyncadd.tile.s32 @!p0 $0x1;
	_ =	shalt  }
.Lfunc_end2:
_tile_overlayer_lowered:
.L_overlay_start_2:
0x68: {  	(tag) =	ssettag $0x2  }
0x69: {  	s0 =	rddreg [dreg:$0x0];
	s2 =	stileid.u32  }
0x6a: {  	s1 =	rddreg [dreg:$0x1];
	p0 =	sne.s32 s2, $0x0  }
0x6b: {  	s3 =	rddreg [dreg:$0x2];
	[bflag:$0x3] =	sbarrier.arrive $0xFFFF;
	s2 =	simm.s32 @!p0 $0x1C08  }
0x6c: {  	[timem:s3], [sflag:s2] =	dma.local @!p0 [hbm:s0], s1  }
0x6d: {  	s0 =	simm.s32 @!p0 $0x8  }
0x6e: {  	_ =	swait.ge @!p0 [sflag:s0], s1  }
0x6f: {  	s1 =	ssub.s32 @!p0 $0x0, s1;
	[sflag:s0] =	ssyncset.done @!p0 $0x0  }
0x70: {  	[sflag:s0] =	ssyncadd.s32 @!p0 s1  }
0x71: {  	[bflag:$0x3] =	sbarrier.arrive $0xFFFF  }
0x72: {  	_ =	shalt  }

</sc_bundles>
